<compile_context>
chip_gen: v7x
topology: tpu7x:2x2x1
jax: 0.10.2.dev20260603
libtpu: 0.0.44.dev20260713+nightly
codegen_flags: <defaults>
</compile_context>

<pallas_src>
import functools

import jax
import jax.numpy as jnp
from jax import lax
from jax.experimental import pallas as pl
from jax.experimental.pallas import tpu as pltpu
from jax.experimental.pallas import tpu_sc as plsc

_HID = 1024
_NH = _HID // 16
_N_ROWS = 4096


def _octree_body(lvl_hbm, lemb, yemb, zemb, xemb, out_hbm,
                 lvl_v, lrow, yrow, zbase8, zbase, xtab, ob0, ob1,
                 sem_g, sem_t, sem_x, sem0, sem1):
    c = lax.axis_index("c")
    s = lax.axis_index("s")
    w = s * 2 + c
    y = s
    half = c

    cp_y = pltpu.async_copy(yemb.at[pl.ds(y, 1)], yrow, sem_t)
    cp_z = pltpu.async_copy(zemb.at[pl.ds(half * 8, 8)], zbase8, sem_t)
    cp_x = pltpu.async_copy(xemb, xtab, sem_x)
    pltpu.sync_copy(lvl_hbm, lvl_v)
    cp_l = pltpu.async_copy(lemb.at[lvl_v], lrow, sem_g)
    cp_l.wait()
    cp_y.wait()
    cp_z.wait()

    def fold(h, carry):
        hs = pl.ds(h * 16, 16)
        b = lrow[0, hs] + yrow[0, hs]
        for z in range(8):
            cs = pl.ds(z * 1024 + h * 16, 16)
            zbase[0, cs] = zbase8[z, hs] + b
        return carry

    lax.fori_loop(0, _NH, fold, 0)
    cp_x.wait()

    obufs = (ob0, ob1)
    sems = (sem0, sem1)
    row0 = w * 128

    def pair(i, carry):
        for k in range(2):
            g = 2 * i + k
            buf = obufs[k]
            sem = sems[k]

            @pl.when(i > 0)
            def _():
                pltpu.make_async_copy(
                    buf, out_hbm.at[pl.ds(row0, 16)], sem).wait()

            @plsc.parallel_loop(0, _NH, 1, unroll=1)
            def hbody(h, _k=k, _buf=buf, _g=g):
                hs = pl.ds(h * 16, 16)
                b0 = zbase[0, pl.ds(_g * 1024 + h * 16, 16)]
                for x in range(16):
                    _buf[x, hs] = b0 + xtab[x, hs]

            pltpu.async_copy(
                buf, out_hbm.at[pl.ds(row0 + g * 16, 16)], sem)
        return carry

    lax.fori_loop(0, 4, pair, 0)
    for k in range(2):
        pltpu.make_async_copy(
            obufs[k], out_hbm.at[pl.ds(row0, 16)], sems[k]).wait()


_mesh = plsc.VectorSubcoreMesh(core_axis_name="c", subcore_axis_name="s")

_octree = functools.partial(
    pl.kernel,
    mesh=_mesh,
    out_type=jax.ShapeDtypeStruct((_N_ROWS, _HID), jnp.float32),
    scratch_types=[
        pltpu.VMEM((1,), jnp.int32),
        pltpu.VMEM((1, _HID), jnp.float32),
        pltpu.VMEM((1, _HID), jnp.float32),
        pltpu.VMEM((8, _HID), jnp.float32),
        pltpu.VMEM((1, 8 * _HID), jnp.float32),
        pltpu.VMEM((16, _HID), jnp.float32),
        pltpu.VMEM((16, _HID), jnp.float32),
        pltpu.VMEM((16, _HID), jnp.float32),
        pltpu.SemaphoreType.DMA,
        pltpu.SemaphoreType.DMA,
        pltpu.SemaphoreType.DMA,
        pltpu.SemaphoreType.DMA,
        pltpu.SemaphoreType.DMA,
    ],
)(_octree_body)


def kernel(level, level_emb, y_emb, z_emb, x_emb):
    lvl = jnp.asarray(level, jnp.int32).reshape((1,))
    return _octree(lvl, level_emb, y_emb, z_emb, x_emb)

# --- scband reference (transcript-rebuilt; emitter-appended) ---
"""Pipeline reference for scband-octree-pos-emb-35081292874387 (READ-ONLY COPY).

The authoritative reference and input builder live on the scoring server;
editing this copy changes nothing except your own understanding.
"""

import jax, jax.numpy as jnp
import numpy as np

_MAX_GRID = 16
_MAX_LEVEL = 4
HIDDEN = 1024

def setup_inputs(seed: int = 0) -> dict:
    key = jax.random.key(seed)
    k1, k2, k3, k4 = jax.random.split(key, 4)
    return {
        "level": 0,
        "level_emb": jax.random.normal(k1, (_MAX_LEVEL + 1, HIDDEN), dtype=jnp.float32),
        "y_emb": jax.random.normal(k2, (_MAX_GRID, HIDDEN), dtype=jnp.float32),
        "z_emb": jax.random.normal(k3, (_MAX_GRID, HIDDEN), dtype=jnp.float32),
        "x_emb": jax.random.normal(k4, (_MAX_GRID, HIDDEN), dtype=jnp.float32),
    }

def reference(level, level_emb, y_emb, z_emb, x_emb):
    _LEVEL_STATIC = 0
    side = 2 ** (_MAX_LEVEL - _LEVEL_STATIC)
    n = side ** 3
    lvl_t = jnp.broadcast_to(jnp.asarray(level, dtype=jnp.int32), (n,))
    ys, zs, xs = jnp.meshgrid(jnp.arange(side), jnp.arange(side), jnp.arange(side), indexing='ij')
    ys = ys.reshape(-1)
    zs = zs.reshape(-1)
    xs = xs.reshape(-1)
    out = (jnp.take(level_emb, lvl_t, axis=0)
           + jnp.take(y_emb, ys, axis=0)
           + jnp.take(z_emb, zs, axis=0)
           + jnp.take(x_emb, xs, axis=0))
    return out

if __name__ == "__main__":
    import jax
    _d = setup_inputs()
    print(jax.jit(kernel)(*tuple(_d.values())))

</pallas_src>

<mosaic_0001>
#map = affine_map<(d0, d1) -> (0)>
#map1 = affine_map<(d0, d1) -> (0, 0)>
module attributes {stable_mosaic.version = 14 : i64} {
  func.func @_octree_body(%arg0: i32, %arg1: i32, %arg2: memref<1xi32, #tpu.memory_space<hbm>>, %arg3: memref<5x1024xf32, #tpu.memory_space<hbm>>, %arg4: memref<16x1024xf32, #tpu.memory_space<hbm>>, %arg5: memref<16x1024xf32, #tpu.memory_space<hbm>>, %arg6: memref<16x1024xf32, #tpu.memory_space<hbm>>, %arg7: memref<4096x1024xf32, #tpu.memory_space<hbm>>, %arg8: memref<1xi32, #tpu.memory_space<vmem>>, %arg9: memref<1x1024xf32, #tpu.memory_space<vmem>>, %arg10: memref<1x1024xf32, #tpu.memory_space<vmem>>, %arg11: memref<8x1024xf32, #tpu.memory_space<vmem>>, %arg12: memref<1x8192xf32, #tpu.memory_space<vmem>>, %arg13: memref<16x1024xf32, #tpu.memory_space<vmem>>, %arg14: memref<16x1024xf32, #tpu.memory_space<vmem>>, %arg15: memref<16x1024xf32, #tpu.memory_space<vmem>>, %arg16: memref<!tpu.dma_semaphore, #tpu.memory_space<semaphore_mem>>, %arg17: memref<!tpu.dma_semaphore, #tpu.memory_space<semaphore_mem>>, %arg18: memref<!tpu.dma_semaphore, #tpu.memory_space<semaphore_mem>>, %arg19: memref<!tpu.dma_semaphore, #tpu.memory_space<semaphore_mem>>, %arg20: memref<!tpu.dma_semaphore, #tpu.memory_space<semaphore_mem>>) attributes {dimension_semantics = [#tpu.dimension_semantics<core_parallel>, #tpu.dimension_semantics<subcore_parallel>], iteration_bounds = array<i64: 2, 16>, scalar_prefetch = 0 : i64, scratch_operands = 13 : i64, tpu.core_type = #tpu.core_type<sc_vector_subcore>, window_params = [{transform_indices = #map}, {transform_indices = #map1}, {transform_indices = #map1}, {transform_indices = #map1}, {transform_indices = #map1}, {transform_indices = #map1}]} {
    %mul3A = arith.constant 2 : i32
    %mul3A_0 = arith.muli %arg1, %mul3A : i32
    %add3A = arith.addi %mul3A_0, %arg0 : i32
    %dma_start3A = arith.constant 0 : i32
    %dma_start3A_1 = tpu.memref_slice %arg4[%arg1, %dma_start3A] : memref<16x1024xf32, #tpu.memory_space<hbm>> -> memref<1x1024xf32, #tpu.memory_space<hbm>>
    %dma_start3A_2 = arith.constant 0 : i32
    %dma_start3A_3 = tpu.memref_slice %arg4[%arg1, %dma_start3A_2] : memref<16x1024xf32, #tpu.memory_space<hbm>> -> memref<1x1024xf32, #tpu.memory_space<hbm>>
    tpu.enqueue_dma source(%dma_start3A_3 : memref<1x1024xf32, #tpu.memory_space<hbm>>) target(%arg10 : memref<1x1024xf32, #tpu.memory_space<vmem>>) target_semaphore(%arg17 : memref<!tpu.dma_semaphore, #tpu.memory_space<semaphore_mem>>)
    %mul3A_4 = arith.constant 8 : i32
    %mul3A_5 = arith.muli %arg0, %mul3A_4 : i32
    %dma_start3A_6 = arith.constant 0 : i32
    %dma_start3A_7 = tpu.memref_slice %arg5[%mul3A_5, %dma_start3A_6] : memref<16x1024xf32, #tpu.memory_space<hbm>> -> memref<8x1024xf32, #tpu.memory_space<hbm>>
    %dma_start3A_8 = arith.constant 0 : i32
    %dma_start3A_9 = tpu.memref_slice %arg5[%mul3A_5, %dma_start3A_8] : memref<16x1024xf32, #tpu.memory_space<hbm>> -> memref<8x1024xf32, #tpu.memory_space<hbm>>
    tpu.enqueue_dma source(%dma_start3A_9 : memref<8x1024xf32, #tpu.memory_space<hbm>>) target(%arg11 : memref<8x1024xf32, #tpu.memory_space<vmem>>) target_semaphore(%arg17 : memref<!tpu.dma_semaphore, #tpu.memory_space<semaphore_mem>>)
    tpu.enqueue_dma source(%arg6 : memref<16x1024xf32, #tpu.memory_space<hbm>>) target(%arg13 : memref<16x1024xf32, #tpu.memory_space<vmem>>) target_semaphore(%arg18 : memref<!tpu.dma_semaphore, #tpu.memory_space<semaphore_mem>>)
    "tpu.region"() ({
      %run_scoped3A = tpu.sem_alloc : memref<!tpu.dma_semaphore, #tpu.memory_space<semaphore_mem>>
      tpu.enqueue_dma source(%arg2 : memref<1xi32, #tpu.memory_space<hbm>>) target(%arg8 : memref<1xi32, #tpu.memory_space<vmem>>) target_semaphore(%run_scoped3A : memref<!tpu.dma_semaphore, #tpu.memory_space<semaphore_mem>>)
      tpu.wait_dma2 semaphore(%run_scoped3A : memref<!tpu.dma_semaphore, #tpu.memory_space<semaphore_mem>>) src(%arg2 : memref<1xi32, #tpu.memory_space<hbm>>) dst(%arg8 : memref<1xi32, #tpu.memory_space<vmem>>)
      tpu.yield
    }) : () -> ()
    %dma_start3A_10 = arith.constant 0 : i32
    %dma_start3A_11 = arith.constant 0 : i32
    %dma_start3A_12 = tpu.memref_slice %arg3[%dma_start3A_10, %dma_start3A_11] : memref<5x1024xf32, #tpu.memory_space<hbm>> -> memref<5x1024xf32, #tpu.memory_space<hbm>>
    tpu.enqueue_indirect_dma source(%dma_start3A_12 : memref<5x1024xf32, #tpu.memory_space<hbm>>) target(%arg9 : memref<1x1024xf32, #tpu.memory_space<vmem>>) offsets(%arg8 : memref<1xi32, #tpu.memory_space<vmem>>) semaphore(%arg16 : memref<!tpu.dma_semaphore, #tpu.memory_space<semaphore_mem>>)
    %dma_wait3A = arith.constant 0 : i32
    %dma_wait3A_13 = arith.constant 0 : i32
    %dma_wait3A_14 = tpu.memref_slice %arg3[%dma_wait3A, %dma_wait3A_13] : memref<5x1024xf32, #tpu.memory_space<hbm>> -> memref<5x1024xf32, #tpu.memory_space<hbm>>
    tpu.wait_indirect_dma semaphore(%arg16 : memref<!tpu.dma_semaphore, #tpu.memory_space<semaphore_mem>>) src(%dma_wait3A_14 : memref<5x1024xf32, #tpu.memory_space<hbm>>) dst(%arg9 : memref<1x1024xf32, #tpu.memory_space<vmem>>)
    %dma_wait3A_15 = arith.constant 0 : i32
    %dma_wait3A_16 = tpu.memref_slice %arg4[%arg1, %dma_wait3A_15] : memref<16x1024xf32, #tpu.memory_space<hbm>> -> memref<1x1024xf32, #tpu.memory_space<hbm>>
    %dma_wait3A_17 = arith.constant 0 : i32
    %dma_wait3A_18 = tpu.memref_slice %arg4[%arg1, %dma_wait3A_17] : memref<16x1024xf32, #tpu.memory_space<hbm>> -> memref<1x1024xf32, #tpu.memory_space<hbm>>
    tpu.wait_dma2 semaphore(%arg17 : memref<!tpu.dma_semaphore, #tpu.memory_space<semaphore_mem>>) src(%dma_wait3A_18 : memref<1x1024xf32, #tpu.memory_space<hbm>>) dst(%arg10 : memref<1x1024xf32, #tpu.memory_space<vmem>>)
    %dma_wait3A_19 = arith.constant 0 : i32
    %dma_wait3A_20 = tpu.memref_slice %arg5[%mul3A_5, %dma_wait3A_19] : memref<16x1024xf32, #tpu.memory_space<hbm>> -> memref<8x1024xf32, #tpu.memory_space<hbm>>
    %dma_wait3A_21 = arith.constant 0 : i32
    %dma_wait3A_22 = tpu.memref_slice %arg5[%mul3A_5, %dma_wait3A_21] : memref<16x1024xf32, #tpu.memory_space<hbm>> -> memref<8x1024xf32, #tpu.memory_space<hbm>>
    tpu.wait_dma2 semaphore(%arg17 : memref<!tpu.dma_semaphore, #tpu.memory_space<semaphore_mem>>) src(%dma_wait3A_22 : memref<8x1024xf32, #tpu.memory_space<hbm>>) dst(%arg11 : memref<8x1024xf32, #tpu.memory_space<vmem>>)
    %scan3A = arith.constant 0 : i32
    %scan3A_23 = arith.constant 0 : i32
    %scan3A_24 = arith.constant 64 : i32
    %scan3A_25 = arith.addi %scan3A_23, %scan3A_24 : i32
    %scan3A_26 = arith.constant 1 : i32
    scf.for %scan3A_44 = %scan3A_23 to %scan3A_25 step %scan3A_26  : i32 {
      %mul3A_45 = arith.constant 16 : i32
      %mul3A_46 = arith.muli %scan3A_44, %mul3A_45 : i32
      %get3A = arith.constant 0 : i32
      %get3A_47 = arith.index_cast %get3A : i32 to index
      %get3A_48 = arith.index_cast %mul3A_46 : i32 to index
      %get3A_49 = tpu.vector_load %arg9[%get3A_47, %get3A_48] {strides = array<i32>} : memref<1x1024xf32, #tpu.memory_space<vmem>>, vector<1x16xf32>,
      %get3A_50 = vector.shape_cast %get3A_49 : vector<1x16xf32> to vector<16xf32>
      %get3A_51 = arith.constant 0 : i32
      %get3A_52 = arith.index_cast %get3A_51 : i32 to index
      %get3A_53 = arith.index_cast %mul3A_46 : i32 to index
      %get3A_54 = tpu.vector_load %arg10[%get3A_52, %get3A_53] {strides = array<i32>} : memref<1x1024xf32, #tpu.memory_space<vmem>>, vector<1x16xf32>,
      %get3A_55 = vector.shape_cast %get3A_54 : vector<1x16xf32> to vector<16xf32>
      %add3A_56 = arith.addf %get3A_50, %get3A_55 : vector<16xf32>
      %mul3A_57 = arith.constant 16 : i32
      %mul3A_58 = arith.muli %scan3A_44, %mul3A_57 : i32
      %add3A_59 = arith.constant 0 : i32
      %add3A_60 = arith.addi %add3A_59, %mul3A_58 : i32
      %get3A_61 = arith.constant 0 : i32
      %get3A_62 = arith.index_cast %get3A_61 : i32 to index
      %get3A_63 = arith.index_cast %mul3A_46 : i32 to index
      %get3A_64 = tpu.vector_load %arg11[%get3A_62, %get3A_63] {strides = array<i32>} : memref<8x1024xf32, #tpu.memory_space<vmem>>, vector<1x16xf32>,
      %get3A_65 = vector.shape_cast %get3A_64 : vector<1x16xf32> to vector<16xf32>
      %add3A_66 = arith.addf %get3A_65, %add3A_56 : vector<16xf32>
      %swap3A = arith.constant 0 : i32
      %swap3A_67 = arith.index_cast %swap3A : i32 to index
      %swap3A_68 = arith.index_cast %add3A_60 : i32 to index
      %swap3A_69 = tpu.vector_load %arg12[%swap3A_67, %swap3A_68] {strides = array<i32>} : memref<1x8192xf32, #tpu.memory_space<vmem>>, vector<1x16xf32>,
      %swap3A_70 = vector.shape_cast %swap3A_69 : vector<1x16xf32> to vector<16xf32>
      %swap3A_71 = vector.shape_cast %add3A_66 : vector<16xf32> to vector<1x16xf32>
      tpu.vector_store %arg12[%swap3A_67, %swap3A_68], %swap3A_71 {strides = array<i32>} : memref<1x8192xf32, #tpu.memory_space<vmem>>, vector<1x16xf32>,
      %mul3A_72 = arith.constant 16 : i32
      %mul3A_73 = arith.muli %scan3A_44, %mul3A_72 : i32
      %add3A_74 = arith.constant 1024 : i32
      %add3A_75 = arith.addi %add3A_74, %mul3A_73 : i32
      %get3A_76 = arith.constant 1 : i32
      %get3A_77 = arith.index_cast %get3A_76 : i32 to index
      %get3A_78 = arith.index_cast %mul3A_46 : i32 to index
      %get3A_79 = tpu.vector_load %arg11[%get3A_77, %get3A_78] {strides = array<i32>} : memref<8x1024xf32, #tpu.memory_space<vmem>>, vector<1x16xf32>,
      %get3A_80 = vector.shape_cast %get3A_79 : vector<1x16xf32> to vector<16xf32>
      %add3A_81 = arith.addf %get3A_80, %add3A_56 : vector<16xf32>
      %swap3A_82 = arith.constant 0 : i32
      %swap3A_83 = arith.index_cast %swap3A_82 : i32 to index
      %swap3A_84 = arith.index_cast %add3A_75 : i32 to index
      %swap3A_85 = tpu.vector_load %arg12[%swap3A_83, %swap3A_84] {strides = array<i32>} : memref<1x8192xf32, #tpu.memory_space<vmem>>, vector<1x16xf32>,
      %swap3A_86 = vector.shape_cast %swap3A_85 : vector<1x16xf32> to vector<16xf32>
      %swap3A_87 = vector.shape_cast %add3A_81 : vector<16xf32> to vector<1x16xf32>
      tpu.vector_store %arg12[%swap3A_83, %swap3A_84], %swap3A_87 {strides = array<i32>} : memref<1x8192xf32, #tpu.memory_space<vmem>>, vector<1x16xf32>,
      %mul3A_88 = arith.constant 16 : i32
      %mul3A_89 = arith.muli %scan3A_44, %mul3A_88 : i32
      %add3A_90 = arith.constant 2048 : i32
      %add3A_91 = arith.addi %add3A_90, %mul3A_89 : i32
      %get3A_92 = arith.constant 2 : i32
      %get3A_93 = arith.index_cast %get3A_92 : i32 to index
      %get3A_94 = arith.index_cast %mul3A_46 : i32 to index
      %get3A_95 = tpu.vector_load %arg11[%get3A_93, %get3A_94] {strides = array<i32>} : memref<8x1024xf32, #tpu.memory_space<vmem>>, vector<1x16xf32>,
      %get3A_96 = vector.shape_cast %get3A_95 : vector<1x16xf32> to vector<16xf32>
      %add3A_97 = arith.addf %get3A_96, %add3A_56 : vector<16xf32>
      %swap3A_98 = arith.constant 0 : i32
      %swap3A_99 = arith.index_cast %swap3A_98 : i32 to index
      %swap3A_100 = arith.index_cast %add3A_91 : i32 to index
      %swap3A_101 = tpu.vector_load %arg12[%swap3A_99, %swap3A_100] {strides = array<i32>} : memref<1x8192xf32, #tpu.memory_space<vmem>>, vector<1x16xf32>,
      %swap3A_102 = vector.shape_cast %swap3A_101 : vector<1x16xf32> to vector<16xf32>
      %swap3A_103 = vector.shape_cast %add3A_97 : vector<16xf32> to vector<1x16xf32>
      tpu.vector_store %arg12[%swap3A_99, %swap3A_100], %swap3A_103 {strides = array<i32>} : memref<1x8192xf32, #tpu.memory_space<vmem>>, vector<1x16xf32>,
      %mul3A_104 = arith.constant 16 : i32
      %mul3A_105 = arith.muli %scan3A_44, %mul3A_104 : i32
      %add3A_106 = arith.constant 3072 : i32
      %add3A_107 = arith.addi %add3A_106, %mul3A_105 : i32
      %get3A_108 = arith.constant 3 : i32
      %get3A_109 = arith.index_cast %get3A_108 : i32 to index
      %get3A_110 = arith.index_cast %mul3A_46 : i32 to index
      %get3A_111 = tpu.vector_load %arg11[%get3A_109, %get3A_110] {strides = array<i32>} : memref<8x1024xf32, #tpu.memory_space<vmem>>, vector<1x16xf32>,
      %get3A_112 = vector.shape_cast %get3A_111 : vector<1x16xf32> to vector<16xf32>
      %add3A_113 = arith.addf %get3A_112, %add3A_56 : vector<16xf32>
      %swap3A_114 = arith.constant 0 : i32
      %swap3A_115 = arith.index_cast %swap3A_114 : i32 to index
      %swap3A_116 = arith.index_cast %add3A_107 : i32 to index
      %swap3A_117 = tpu.vector_load %arg12[%swap3A_115, %swap3A_116] {strides = array<i32>} : memref<1x8192xf32, #tpu.memory_space<vmem>>, vector<1x16xf32>,
      %swap3A_118 = vector.shape_cast %swap3A_117 : vector<1x16xf32> to vector<16xf32>
      %swap3A_119 = vector.shape_cast %add3A_113 : vector<16xf32> to vector<1x16xf32>
      tpu.vector_store %arg12[%swap3A_115, %swap3A_116], %swap3A_119 {strides = array<i32>} : memref<1x8192xf32, #tpu.memory_space<vmem>>, vector<1x16xf32>,
      %mul3A_120 = arith.constant 16 : i32
      %mul3A_121 = arith.muli %scan3A_44, %mul3A_120 : i32
      %add3A_122 = arith.constant 4096 : i32
      %add3A_123 = arith.addi %add3A_122, %mul3A_121 : i32
      %get3A_124 = arith.constant 4 : i32
      %get3A_125 = arith.index_cast %get3A_124 : i32 to index
      %get3A_126 = arith.index_cast %mul3A_46 : i32 to index
      %get3A_127 = tpu.vector_load %arg11[%get3A_125, %get3A_126] {strides = array<i32>} : memref<8x1024xf32, #tpu.memory_space<vmem>>, vector<1x16xf32>,
      %get3A_128 = vector.shape_cast %get3A_127 : vector<1x16xf32> to vector<16xf32>
      %add3A_129 = arith.addf %get3A_128, %add3A_56 : vector<16xf32>
      %swap3A_130 = arith.constant 0 : i32
      %swap3A_131 = arith.index_cast %swap3A_130 : i32 to index
      %swap3A_132 = arith.index_cast %add3A_123 : i32 to index
      %swap3A_133 = tpu.vector_load %arg12[%swap3A_131, %swap3A_132] {strides = array<i32>} : memref<1x8192xf32, #tpu.memory_space<vmem>>, vector<1x16xf32>,
      %swap3A_134 = vector.shape_cast %swap3A_133 : vector<1x16xf32> to vector<16xf32>
      %swap3A_135 = vector.shape_cast %add3A_129 : vector<16xf32> to vector<1x16xf32>
      tpu.vector_store %arg12[%swap3A_131, %swap3A_132], %swap3A_135 {strides = array<i32>} : memref<1x8192xf32, #tpu.memory_space<vmem>>, vector<1x16xf32>,
      %mul3A_136 = arith.constant 16 : i32
      %mul3A_137 = arith.muli %scan3A_44, %mul3A_136 : i32
      %add3A_138 = arith.constant 5120 : i32
      %add3A_139 = arith.addi %add3A_138, %mul3A_137 : i32
      %get3A_140 = arith.constant 5 : i32
      %get3A_141 = arith.index_cast %get3A_140 : i32 to index
      %get3A_142 = arith.index_cast %mul3A_46 : i32 to index
      %get3A_143 = tpu.vector_load %arg11[%get3A_141, %get3A_142] {strides = array<i32>} : memref<8x1024xf32, #tpu.memory_space<vmem>>, vector<1x16xf32>,
      %get3A_144 = vector.shape_cast %get3A_143 : vector<1x16xf32> to vector<16xf32>
      %add3A_145 = arith.addf %get3A_144, %add3A_56 : vector<16xf32>
      %swap3A_146 = arith.constant 0 : i32
      %swap3A_147 = arith.index_cast %swap3A_146 : i32 to index
      %swap3A_148 = arith.index_cast %add3A_139 : i32 to index
      %swap3A_149 = tpu.vector_load %arg12[%swap3A_147, %swap3A_148] {strides = array<i32>} : memref<1x8192xf32, #tpu.memory_space<vmem>>, vector<1x16xf32>,
      %swap3A_150 = vector.shape_cast %swap3A_149 : vector<1x16xf32> to vector<16xf32>
      %swap3A_151 = vector.shape_cast %add3A_145 : vector<16xf32> to vector<1x16xf32>
      tpu.vector_store %arg12[%swap3A_147, %swap3A_148], %swap3A_151 {strides = array<i32>} : memref<1x8192xf32, #tpu.memory_space<vmem>>, vector<1x16xf32>,
      %mul3A_152 = arith.constant 16 : i32
      %mul3A_153 = arith.muli %scan3A_44, %mul3A_152 : i32
      %add3A_154 = arith.constant 6144 : i32
      %add3A_155 = arith.addi %add3A_154, %mul3A_153 : i32
      %get3A_156 = arith.constant 6 : i32
      %get3A_157 = arith.index_cast %get3A_156 : i32 to index
      %get3A_158 = arith.index_cast %mul3A_46 : i32 to index
      %get3A_159 = tpu.vector_load %arg11[%get3A_157, %get3A_158] {strides = array<i32>} : memref<8x1024xf32, #tpu.memory_space<vmem>>, vector<1x16xf32>,
      %get3A_160 = vector.shape_cast %get3A_159 : vector<1x16xf32> to vector<16xf32>
      %add3A_161 = arith.addf %get3A_160, %add3A_56 : vector<16xf32>
      %swap3A_162 = arith.constant 0 : i32
      %swap3A_163 = arith.index_cast %swap3A_162 : i32 to index
      %swap3A_164 = arith.index_cast %add3A_155 : i32 to index
      %swap3A_165 = tpu.vector_load %arg12[%swap3A_163, %swap3A_164] {strides = array<i32>} : memref<1x8192xf32, #tpu.memory_space<vmem>>, vector<1x16xf32>,
      %swap3A_166 = vector.shape_cast %swap3A_165 : vector<1x16xf32> to vector<16xf32>
      %swap3A_167 = vector.shape_cast %add3A_161 : vector<16xf32> to vector<1x16xf32>
      tpu.vector_store %arg12[%swap3A_163, %swap3A_164], %swap3A_167 {strides = array<i32>} : memref<1x8192xf32, #tpu.memory_space<vmem>>, vector<1x16xf32>,
      %mul3A_168 = arith.constant 16 : i32
      %mul3A_169 = arith.muli %scan3A_44, %mul3A_168 : i32
      %add3A_170 = arith.constant 7168 : i32
      %add3A_171 = arith.addi %add3A_170, %mul3A_169 : i32
      %get3A_172 = arith.constant 7 : i32
      %get3A_173 = arith.index_cast %get3A_172 : i32 to index
      %get3A_174 = arith.index_cast %mul3A_46 : i32 to index
      %get3A_175 = tpu.vector_load %arg11[%get3A_173, %get3A_174] {strides = array<i32>} : memref<8x1024xf32, #tpu.memory_space<vmem>>, vector<1x16xf32>,
      %get3A_176 = vector.shape_cast %get3A_175 : vector<1x16xf32> to vector<16xf32>
      %add3A_177 = arith.addf %get3A_176, %add3A_56 : vector<16xf32>
      %swap3A_178 = arith.constant 0 : i32
      %swap3A_179 = arith.index_cast %swap3A_178 : i32 to index
      %swap3A_180 = arith.index_cast %add3A_171 : i32 to index
      %swap3A_181 = tpu.vector_load %arg12[%swap3A_179, %swap3A_180] {strides = array<i32>} : memref<1x8192xf32, #tpu.memory_space<vmem>>, vector<1x16xf32>,
      %swap3A_182 = vector.shape_cast %swap3A_181 : vector<1x16xf32> to vector<16xf32>
      %swap3A_183 = vector.shape_cast %add3A_177 : vector<16xf32> to vector<1x16xf32>
      tpu.vector_store %arg12[%swap3A_179, %swap3A_180], %swap3A_183 {strides = array<i32>} : memref<1x8192xf32, #tpu.memory_space<vmem>>, vector<1x16xf32>,
    }
    %scan3A_27 = arith.constant 64 : i32
    tpu.wait_dma2 semaphore(%arg18 : memref<!tpu.dma_semaphore, #tpu.memory_space<semaphore_mem>>) src(%arg6 : memref<16x1024xf32, #tpu.memory_space<hbm>>) dst(%arg13 : memref<16x1024xf32, #tpu.memory_space<vmem>>)
    %mul3A_28 = arith.constant 128 : i32
    %mul3A_29 = arith.muli %add3A, %mul3A_28 : i32
    %scan3A_30 = arith.constant 0 : i32
    %scan3A_31 = arith.constant 0 : i32
    %scan3A_32 = arith.constant 4 : i32
    %scan3A_33 = arith.addi %scan3A_31, %scan3A_32 : i32
    %scan3A_34 = arith.constant 1 : i32
    scf.for %scan3A_44 = %scan3A_31 to %scan3A_33 step %scan3A_34  : i32 {
      %mul3A_45 = arith.constant 2 : i32
      %mul3A_46 = arith.muli %mul3A_45, %scan3A_44 : i32
      %add3A_47 = arith.constant 0 : i32
      %add3A_48 = arith.addi %mul3A_46, %add3A_47 : i32
      %gt3A = arith.constant 0 : i32
      %gt3A_49 = arith.cmpi sgt, %scan3A_44, %gt3A : i32
      %convert_element_type3A = arith.extui %gt3A_49 : i1 to i32
      %cond3A = arith.constant 0 : i32
      %cond3A_50 = arith.cmpi ne, %convert_element_type3A, %cond3A : i32
      scf.if %cond3A_50 {
        %dma_wait3A_79 = arith.constant 0 : i32
        %dma_wait3A_80 = tpu.memref_slice %arg7[%mul3A_29, %dma_wait3A_79] : memref<4096x1024xf32, #tpu.memory_space<hbm>> -> memref<16x1024xf32, #tpu.memory_space<hbm>>
        %dma_wait3A_81 = arith.constant 0 : i32
        %dma_wait3A_82 = tpu.memref_slice %arg7[%mul3A_29, %dma_wait3A_81] : memref<4096x1024xf32, #tpu.memory_space<hbm>> -> memref<16x1024xf32, #tpu.memory_space<hbm>>
        tpu.wait_dma2 semaphore(%arg19 : memref<!tpu.dma_semaphore, #tpu.memory_space<semaphore_mem>>) src(%arg14 : memref<16x1024xf32, #tpu.memory_space<vmem>>) dst(%dma_wait3A_82 : memref<16x1024xf32, #tpu.memory_space<hbm>>)
      } else {
      }
      %parallel_loop3A = arith.constant 0 : i32
      %parallel_loop3A_51 = arith.constant 64 : i32
      %parallel_loop3A_52 = arith.constant 1 : i32
      scf.for %parallel_loop3A_79 = %parallel_loop3A to %parallel_loop3A_51 step %parallel_loop3A_52  : i32 {
        %parallel_loop3A_80 = arith.constant 16 : i32
        %parallel_loop3A_81 = arith.muli %parallel_loop3A_79, %parallel_loop3A_80 : i32
        %parallel_loop3A_82 = arith.constant 1024 : i32
        %parallel_loop3A_83 = arith.muli %add3A_48, %parallel_loop3A_82 : i32
        %parallel_loop3A_84 = arith.constant 16 : i32
        %parallel_loop3A_85 = arith.muli %parallel_loop3A_79, %parallel_loop3A_84 : i32
        %parallel_loop3A_86 = arith.addi %parallel_loop3A_83, %parallel_loop3A_85 : i32
        %parallel_loop3A_87 = arith.constant 0 : i32
        %parallel_loop3A_88 = arith.index_cast %parallel_loop3A_87 : i32 to index
        %parallel_loop3A_89 = arith.index_cast %parallel_loop3A_86 : i32 to index
        %parallel_loop3A_90 = tpu.vector_load %arg12[%parallel_loop3A_88, %parallel_loop3A_89] {strides = array<i32>} : memref<1x8192xf32, #tpu.memory_space<vmem>>, vector<1x16xf32>,
        %parallel_loop3A_91 = vector.shape_cast %parallel_loop3A_90 : vector<1x16xf32> to vector<16xf32>
        %parallel_loop3A_92 = arith.constant 0 : i32
        %parallel_loop3A_93 = arith.index_cast %parallel_loop3A_92 : i32 to index
        %parallel_loop3A_94 = arith.index_cast %parallel_loop3A_81 : i32 to index
        %parallel_loop3A_95 = tpu.vector_load %arg13[%parallel_loop3A_93, %parallel_loop3A_94] {strides = array<i32>} : memref<16x1024xf32, #tpu.memory_space<vmem>>, vector<1x16xf32>,
        %parallel_loop3A_96 = vector.shape_cast %parallel_loop3A_95 : vector<1x16xf32> to vector<16xf32>
        %parallel_loop3A_97 = arith.addf %parallel_loop3A_91, %parallel_loop3A_96 : vector<16xf32>
        %parallel_loop3A_98 = arith.constant 0 : i32
        %parallel_loop3A_99 = arith.index_cast %parallel_loop3A_98 : i32 to index
        %parallel_loop3A_100 = arith.index_cast %parallel_loop3A_81 : i32 to index
        %parallel_loop3A_101 = tpu.vector_load %arg14[%parallel_loop3A_99, %parallel_loop3A_100] {strides = array<i32>} : memref<16x1024xf32, #tpu.memory_space<vmem>>, vector<1x16xf32>,
        %parallel_loop3A_102 = vector.shape_cast %parallel_loop3A_101 : vector<1x16xf32> to vector<16xf32>
        %parallel_loop3A_103 = vector.shape_cast %parallel_loop3A_97 : vector<16xf32> to vector<1x16xf32>
        tpu.vector_store %arg14[%parallel_loop3A_99, %parallel_loop3A_100], %parallel_loop3A_103 {strides = array<i32>} : memref<16x1024xf32, #tpu.memory_space<vmem>>, vector<1x16xf32>,
        %parallel_loop3A_104 = arith.constant 1 : i32
        %parallel_loop3A_105 = arith.index_cast %parallel_loop3A_104 : i32 to index
        %parallel_loop3A_106 = arith.index_cast %parallel_loop3A_81 : i32 to index
        %parallel_loop3A_107 = tpu.vector_load %arg13[%parallel_loop3A_105, %parallel_loop3A_106] {strides = array<i32>} : memref<16x1024xf32, #tpu.memory_space<vmem>>, vector<1x16xf32>,
        %parallel_loop3A_108 = vector.shape_cast %parallel_loop3A_107 : vector<1x16xf32> to vector<16xf32>
        %parallel_loop3A_109 = arith.addf %parallel_loop3A_91, %parallel_loop3A_108 : vector<16xf32>
        %parallel_loop3A_110 = arith.constant 1 : i32
        %parallel_loop3A_111 = arith.index_cast %parallel_loop3A_110 : i32 to index
        %parallel_loop3A_112 = arith.index_cast %parallel_loop3A_81 : i32 to index
        %parallel_loop3A_113 = tpu.vector_load %arg14[%parallel_loop3A_111, %parallel_loop3A_112] {strides = array<i32>} : memref<16x1024xf32, #tpu.memory_space<vmem>>, vector<1x16xf32>,
        %parallel_loop3A_114 = vector.shape_cast %parallel_loop3A_113 : vector<1x16xf32> to vector<16xf32>
        %parallel_loop3A_115 = vector.shape_cast %parallel_loop3A_109 : vector<16xf32> to vector<1x16xf32>
        tpu.vector_store %arg14[%parallel_loop3A_111, %parallel_loop3A_112], %parallel_loop3A_115 {strides = array<i32>} : memref<16x1024xf32, #tpu.memory_space<vmem>>, vector<1x16xf32>,
        %parallel_loop3A_116 = arith.constant 2 : i32
        %parallel_loop3A_117 = arith.index_cast %parallel_loop3A_116 : i32 to index
        %parallel_loop3A_118 = arith.index_cast %parallel_loop3A_81 : i32 to index
        %parallel_loop3A_119 = tpu.vector_load %arg13[%parallel_loop3A_117, %parallel_loop3A_118] {strides = array<i32>} : memref<16x1024xf32, #tpu.memory_space<vmem>>, vector<1x16xf32>,
        %parallel_loop3A_120 = vector.shape_cast %parallel_loop3A_119 : vector<1x16xf32> to vector<16xf32>
        %parallel_loop3A_121 = arith.addf %parallel_loop3A_91, %parallel_loop3A_120 : vector<16xf32>
        %parallel_loop3A_122 = arith.constant 2 : i32
        %parallel_loop3A_123 = arith.index_cast %parallel_loop3A_122 : i32 to index
        %parallel_loop3A_124 = arith.index_cast %parallel_loop3A_81 : i32 to index
        %parallel_loop3A_125 = tpu.vector_load %arg14[%parallel_loop3A_123, %parallel_loop3A_124] {strides = array<i32>} : memref<16x1024xf32, #tpu.memory_space<vmem>>, vector<1x16xf32>,
        %parallel_loop3A_126 = vector.shape_cast %parallel_loop3A_125 : vector<1x16xf32> to vector<16xf32>
        %parallel_loop3A_127 = vector.shape_cast %parallel_loop3A_121 : vector<16xf32> to vector<1x16xf32>
        tpu.vector_store %arg14[%parallel_loop3A_123, %parallel_loop3A_124], %parallel_loop3A_127 {strides = array<i32>} : memref<16x1024xf32, #tpu.memory_space<vmem>>, vector<1x16xf32>,
        %parallel_loop3A_128 = arith.constant 3 : i32
        %parallel_loop3A_129 = arith.index_cast %parallel_loop3A_128 : i32 to index
        %parallel_loop3A_130 = arith.index_cast %parallel_loop3A_81 : i32 to index
        %parallel_loop3A_131 = tpu.vector_load %arg13[%parallel_loop3A_129, %parallel_loop3A_130] {strides = array<i32>} : memref<16x1024xf32, #tpu.memory_space<vmem>>, vector<1x16xf32>,
        %parallel_loop3A_132 = vector.shape_cast %parallel_loop3A_131 : vector<1x16xf32> to vector<16xf32>
        %parallel_loop3A_133 = arith.addf %parallel_loop3A_91, %parallel_loop3A_132 : vector<16xf32>
        %parallel_loop3A_134 = arith.constant 3 : i32
        %parallel_loop3A_135 = arith.index_cast %parallel_loop3A_134 : i32 to index
        %parallel_loop3A_136 = arith.index_cast %parallel_loop3A_81 : i32 to index
        %parallel_loop3A_137 = tpu.vector_load %arg14[%parallel_loop3A_135, %parallel_loop3A_136] {strides = array<i32>} : memref<16x1024xf32, #tpu.memory_space<vmem>>, vector<1x16xf32>,
        %parallel_loop3A_138 = vector.shape_cast %parallel_loop3A_137 : vector<1x16xf32> to vector<16xf32>
        %parallel_loop3A_139 = vector.shape_cast %parallel_loop3A_133 : vector<16xf32> to vector<1x16xf32>
        tpu.vector_store %arg14[%parallel_loop3A_135, %parallel_loop3A_136], %parallel_loop3A_139 {strides = array<i32>} : memref<16x1024xf32, #tpu.memory_space<vmem>>, vector<1x16xf32>,
        %parallel_loop3A_140 = arith.constant 4 : i32
        %parallel_loop3A_141 = arith.index_cast %parallel_loop3A_140 : i32 to index
        %parallel_loop3A_142 = arith.index_cast %parallel_loop3A_81 : i32 to index
        %parallel_loop3A_143 = tpu.vector_load %arg13[%parallel_loop3A_141, %parallel_loop3A_142] {strides = array<i32>} : memref<16x1024xf32, #tpu.memory_space<vmem>>, vector<1x16xf32>,
        %parallel_loop3A_144 = vector.shape_cast %parallel_loop3A_143 : vector<1x16xf32> to vector<16xf32>
        %parallel_loop3A_145 = arith.addf %parallel_loop3A_91, %parallel_loop3A_144 : vector<16xf32>
        %parallel_loop3A_146 = arith.constant 4 : i32
        %parallel_loop3A_147 = arith.index_cast %parallel_loop3A_146 : i32 to index
        %parallel_loop3A_148 = arith.index_cast %parallel_loop3A_81 : i32 to index
        %parallel_loop3A_149 = tpu.vector_load %arg14[%parallel_loop3A_147, %parallel_loop3A_148] {strides = array<i32>} : memref<16x1024xf32, #tpu.memory_space<vmem>>, vector<1x16xf32>,
        %parallel_loop3A_150 = vector.shape_cast %parallel_loop3A_149 : vector<1x16xf32> to vector<16xf32>
        %parallel_loop3A_151 = vector.shape_cast %parallel_loop3A_145 : vector<16xf32> to vector<1x16xf32>
        tpu.vector_store %arg14[%parallel_loop3A_147, %parallel_loop3A_148], %parallel_loop3A_151 {strides = array<i32>} : memref<16x1024xf32, #tpu.memory_space<vmem>>, vector<1x16xf32>,
        %parallel_loop3A_152 = arith.constant 5 : i32
        %parallel_loop3A_153 = arith.index_cast %parallel_loop3A_152 : i32 to index
        %parallel_loop3A_154 = arith.index_cast %parallel_loop3A_81 : i32 to index
        %parallel_loop3A_155 = tpu.vector_load %arg13[%parallel_loop3A_153, %parallel_loop3A_154] {strides = array<i32>} : memref<16x1024xf32, #tpu.memory_space<vmem>>, vector<1x16xf32>,
        %parallel_loop3A_156 = vector.shape_cast %parallel_loop3A_155 : vector<1x16xf32> to vector<16xf32>
        %parallel_loop3A_157 = arith.addf %parallel_loop3A_91, %parallel_loop3A_156 : vector<16xf32>
        %parallel_loop3A_158 = arith.constant 5 : i32
        %parallel_loop3A_159 = arith.index_cast %parallel_loop3A_158 : i32 to index
        %parallel_loop3A_160 = arith.index_cast %parallel_loop3A_81 : i32 to index
        %parallel_loop3A_161 = tpu.vector_load %arg14[%parallel_loop3A_159, %parallel_loop3A_160] {strides = array<i32>} : memref<16x1024xf32, #tpu.memory_space<vmem>>, vector<1x16xf32>,
        %parallel_loop3A_162 = vector.shape_cast %parallel_loop3A_161 : vector<1x16xf32> to vector<16xf32>
        %parallel_loop3A_163 = vector.shape_cast %parallel_loop3A_157 : vector<16xf32> to vector<1x16xf32>
        tpu.vector_store %arg14[%parallel_loop3A_159, %parallel_loop3A_160], %parallel_loop3A_163 {strides = array<i32>} : memref<16x1024xf32, #tpu.memory_space<vmem>>, vector<1x16xf32>,
        %parallel_loop3A_164 = arith.constant 6 : i32
        %parallel_loop3A_165 = arith.index_cast %parallel_loop3A_164 : i32 to index
        %parallel_loop3A_166 = arith.index_cast %parallel_loop3A_81 : i32 to index
        %parallel_loop3A_167 = tpu.vector_load %arg13[%parallel_loop3A_165, %parallel_loop3A_166] {strides = array<i32>} : memref<16x1024xf32, #tpu.memory_space<vmem>>, vector<1x16xf32>,
        %parallel_loop3A_168 = vector.shape_cast %parallel_loop3A_167 : vector<1x16xf32> to vector<16xf32>
        %parallel_loop3A_169 = arith.addf %parallel_loop3A_91, %parallel_loop3A_168 : vector<16xf32>
        %parallel_loop3A_170 = arith.constant 6 : i32
        %parallel_loop3A_171 = arith.index_cast %parallel_loop3A_170 : i32 to index
        %parallel_loop3A_172 = arith.index_cast %parallel_loop3A_81 : i32 to index
        %parallel_loop3A_173 = tpu.vector_load %arg14[%parallel_loop3A_171, %parallel_loop3A_172] {strides = array<i32>} : memref<16x1024xf32, #tpu.memory_space<vmem>>, vector<1x16xf32>,
        %parallel_loop3A_174 = vector.shape_cast %parallel_loop3A_173 : vector<1x16xf32> to vector<16xf32>
        %parallel_loop3A_175 = vector.shape_cast %parallel_loop3A_169 : vector<16xf32> to vector<1x16xf32>
        tpu.vector_store %arg14[%parallel_loop3A_171, %parallel_loop3A_172], %parallel_loop3A_175 {strides = array<i32>} : memref<16x1024xf32, #tpu.memory_space<vmem>>, vector<1x16xf32>,
        %parallel_loop3A_176 = arith.constant 7 : i32
        %parallel_loop3A_177 = arith.index_cast %parallel_loop3A_176 : i32 to index
        %parallel_loop3A_178 = arith.index_cast %parallel_loop3A_81 : i32 to index
        %parallel_loop3A_179 = tpu.vector_load %arg13[%parallel_loop3A_177, %parallel_loop3A_178] {strides = array<i32>} : memref<16x1024xf32, #tpu.memory_space<vmem>>, vector<1x16xf32>,
        %parallel_loop3A_180 = vector.shape_cast %parallel_loop3A_179 : vector<1x16xf32> to vector<16xf32>
        %parallel_loop3A_181 = arith.addf %parallel_loop3A_91, %parallel_loop3A_180 : vector<16xf32>
        %parallel_loop3A_182 = arith.constant 7 : i32
        %parallel_loop3A_183 = arith.index_cast %parallel_loop3A_182 : i32 to index
        %parallel_loop3A_184 = arith.index_cast %parallel_loop3A_81 : i32 to index
        %parallel_loop3A_185 = tpu.vector_load %arg14[%parallel_loop3A_183, %parallel_loop3A_184] {strides = array<i32>} : memref<16x1024xf32, #tpu.memory_space<vmem>>, vector<1x16xf32>,
        %parallel_loop3A_186 = vector.shape_cast %parallel_loop3A_185 : vector<1x16xf32> to vector<16xf32>
        %parallel_loop3A_187 = vector.shape_cast %parallel_loop3A_181 : vector<16xf32> to vector<1x16xf32>
        tpu.vector_store %arg14[%parallel_loop3A_183, %parallel_loop3A_184], %parallel_loop3A_187 {strides = array<i32>} : memref<16x1024xf32, #tpu.memory_space<vmem>>, vector<1x16xf32>,
        %parallel_loop3A_188 = arith.constant 8 : i32
        %parallel_loop3A_189 = arith.index_cast %parallel_loop3A_188 : i32 to index
        %parallel_loop3A_190 = arith.index_cast %parallel_loop3A_81 : i32 to index
        %parallel_loop3A_191 = tpu.vector_load %arg13[%parallel_loop3A_189, %parallel_loop3A_190] {strides = array<i32>} : memref<16x1024xf32, #tpu.memory_space<vmem>>, vector<1x16xf32>,
        %parallel_loop3A_192 = vector.shape_cast %parallel_loop3A_191 : vector<1x16xf32> to vector<16xf32>
        %parallel_loop3A_193 = arith.addf %parallel_loop3A_91, %parallel_loop3A_192 : vector<16xf32>
        %parallel_loop3A_194 = arith.constant 8 : i32
        %parallel_loop3A_195 = arith.index_cast %parallel_loop3A_194 : i32 to index
        %parallel_loop3A_196 = arith.index_cast %parallel_loop3A_81 : i32 to index
        %parallel_loop3A_197 = tpu.vector_load %arg14[%parallel_loop3A_195, %parallel_loop3A_196] {strides = array<i32>} : memref<16x1024xf32, #tpu.memory_space<vmem>>, vector<1x16xf32>,
        %parallel_loop3A_198 = vector.shape_cast %parallel_loop3A_197 : vector<1x16xf32> to vector<16xf32>
        %parallel_loop3A_199 = vector.shape_cast %parallel_loop3A_193 : vector<16xf32> to vector<1x16xf32>
        tpu.vector_store %arg14[%parallel_loop3A_195, %parallel_loop3A_196], %parallel_loop3A_199 {strides = array<i32>} : memref<16x1024xf32, #tpu.memory_space<vmem>>, vector<1x16xf32>,
        %parallel_loop3A_200 = arith.constant 9 : i32
        %parallel_loop3A_201 = arith.index_cast %parallel_loop3A_200 : i32 to index
        %parallel_loop3A_202 = arith.index_cast %parallel_loop3A_81 : i32 to index
        %parallel_loop3A_203 = tpu.vector_load %arg13[%parallel_loop3A_201, %parallel_loop3A_202] {strides = array<i32>} : memref<16x1024xf32, #tpu.memory_space<vmem>>, vector<1x16xf32>,
        %parallel_loop3A_204 = vector.shape_cast %parallel_loop3A_203 : vector<1x16xf32> to vector<16xf32>
        %parallel_loop3A_205 = arith.addf %parallel_loop3A_91, %parallel_loop3A_204 : vector<16xf32>
        %parallel_loop3A_206 = arith.constant 9 : i32
        %parallel_loop3A_207 = arith.index_cast %parallel_loop3A_206 : i32 to index
        %parallel_loop3A_208 = arith.index_cast %parallel_loop3A_81 : i32 to index
        %parallel_loop3A_209 = tpu.vector_load %arg14[%parallel_loop3A_207, %parallel_loop3A_208] {strides = array<i32>} : memref<16x1024xf32, #tpu.memory_space<vmem>>, vector<1x16xf32>,
        %parallel_loop3A_210 = vector.shape_cast %parallel_loop3A_209 : vector<1x16xf32> to vector<16xf32>
        %parallel_loop3A_211 = vector.shape_cast %parallel_loop3A_205 : vector<16xf32> to vector<1x16xf32>
        tpu.vector_store %arg14[%parallel_loop3A_207, %parallel_loop3A_208], %parallel_loop3A_211 {strides = array<i32>} : memref<16x1024xf32, #tpu.memory_space<vmem>>, vector<1x16xf32>,
        %parallel_loop3A_212 = arith.constant 10 : i32
        %parallel_loop3A_213 = arith.index_cast %parallel_loop3A_212 : i32 to index
        %parallel_loop3A_214 = arith.index_cast %parallel_loop3A_81 : i32 to index
        %parallel_loop3A_215 = tpu.vector_load %arg13[%parallel_loop3A_213, %parallel_loop3A_214] {strides = array<i32>} : memref<16x1024xf32, #tpu.memory_space<vmem>>, vector<1x16xf32>,
        %parallel_loop3A_216 = vector.shape_cast %parallel_loop3A_215 : vector<1x16xf32> to vector<16xf32>
        %parallel_loop3A_217 = arith.addf %parallel_loop3A_91, %parallel_loop3A_216 : vector<16xf32>
        %parallel_loop3A_218 = arith.constant 10 : i32
        %parallel_loop3A_219 = arith.index_cast %parallel_loop3A_218 : i32 to index
        %parallel_loop3A_220 = arith.index_cast %parallel_loop3A_81 : i32 to index
        %parallel_loop3A_221 = tpu.vector_load %arg14[%parallel_loop3A_219, %parallel_loop3A_220] {strides = array<i32>} : memref<16x1024xf32, #tpu.memory_space<vmem>>, vector<1x16xf32>,
        %parallel_loop3A_222 = vector.shape_cast %parallel_loop3A_221 : vector<1x16xf32> to vector<16xf32>
        %parallel_loop3A_223 = vector.shape_cast %parallel_loop3A_217 : vector<16xf32> to vector<1x16xf32>
        tpu.vector_store %arg14[%parallel_loop3A_219, %parallel_loop3A_220], %parallel_loop3A_223 {strides = array<i32>} : memref<16x1024xf32, #tpu.memory_space<vmem>>, vector<1x16xf32>,
        %parallel_loop3A_224 = arith.constant 11 : i32
        %parallel_loop3A_225 = arith.index_cast %parallel_loop3A_224 : i32 to index
        %parallel_loop3A_226 = arith.index_cast %parallel_loop3A_81 : i32 to index
        %parallel_loop3A_227 = tpu.vector_load %arg13[%parallel_loop3A_225, %parallel_loop3A_226] {strides = array<i32>} : memref<16x1024xf32, #tpu.memory_space<vmem>>, vector<1x16xf32>,
        %parallel_loop3A_228 = vector.shape_cast %parallel_loop3A_227 : vector<1x16xf32> to vector<16xf32>
        %parallel_loop3A_229 = arith.addf %parallel_loop3A_91, %parallel_loop3A_228 : vector<16xf32>
        %parallel_loop3A_230 = arith.constant 11 : i32
        %parallel_loop3A_231 = arith.index_cast %parallel_loop3A_230 : i32 to index
        %parallel_loop3A_232 = arith.index_cast %parallel_loop3A_81 : i32 to index
        %parallel_loop3A_233 = tpu.vector_load %arg14[%parallel_loop3A_231, %parallel_loop3A_232] {strides = array<i32>} : memref<16x1024xf32, #tpu.memory_space<vmem>>, vector<1x16xf32>,
        %parallel_loop3A_234 = vector.shape_cast %parallel_loop3A_233 : vector<1x16xf32> to vector<16xf32>
        %parallel_loop3A_235 = vector.shape_cast %parallel_loop3A_229 : vector<16xf32> to vector<1x16xf32>
        tpu.vector_store %arg14[%parallel_loop3A_231, %parallel_loop3A_232], %parallel_loop3A_235 {strides = array<i32>} : memref<16x1024xf32, #tpu.memory_space<vmem>>, vector<1x16xf32>,
        %parallel_loop3A_236 = arith.constant 12 : i32
        %parallel_loop3A_237 = arith.index_cast %parallel_loop3A_236 : i32 to index
        %parallel_loop3A_238 = arith.index_cast %parallel_loop3A_81 : i32 to index
        %parallel_loop3A_239 = tpu.vector_load %arg13[%parallel_loop3A_237, %parallel_loop3A_238] {strides = array<i32>} : memref<16x1024xf32, #tpu.memory_space<vmem>>, vector<1x16xf32>,
        %parallel_loop3A_240 = vector.shape_cast %parallel_loop3A_239 : vector<1x16xf32> to vector<16xf32>
        %parallel_loop3A_241 = arith.addf %parallel_loop3A_91, %parallel_loop3A_240 : vector<16xf32>
        %parallel_loop3A_242 = arith.constant 12 : i32
        %parallel_loop3A_243 = arith.index_cast %parallel_loop3A_242 : i32 to index
        %parallel_loop3A_244 = arith.index_cast %parallel_loop3A_81 : i32 to index
        %parallel_loop3A_245 = tpu.vector_load %arg14[%parallel_loop3A_243, %parallel_loop3A_244] {strides = array<i32>} : memref<16x1024xf32, #tpu.memory_space<vmem>>, vector<1x16xf32>,
        %parallel_loop3A_246 = vector.shape_cast %parallel_loop3A_245 : vector<1x16xf32> to vector<16xf32>
        %parallel_loop3A_247 = vector.shape_cast %parallel_loop3A_241 : vector<16xf32> to vector<1x16xf32>
        tpu.vector_store %arg14[%parallel_loop3A_243, %parallel_loop3A_244], %parallel_loop3A_247 {strides = array<i32>} : memref<16x1024xf32, #tpu.memory_space<vmem>>, vector<1x16xf32>,
        %parallel_loop3A_248 = arith.constant 13 : i32
        %parallel_loop3A_249 = arith.index_cast %parallel_loop3A_248 : i32 to index
        %parallel_loop3A_250 = arith.index_cast %parallel_loop3A_81 : i32 to index
        %parallel_loop3A_251 = tpu.vector_load %arg13[%parallel_loop3A_249, %parallel_loop3A_250] {strides = array<i32>} : memref<16x1024xf32, #tpu.memory_space<vmem>>, vector<1x16xf32>,
        %parallel_loop3A_252 = vector.shape_cast %parallel_loop3A_251 : vector<1x16xf32> to vector<16xf32>
        %parallel_loop3A_253 = arith.addf %parallel_loop3A_91, %parallel_loop3A_252 : vector<16xf32>
        %parallel_loop3A_254 = arith.constant 13 : i32
        %parallel_loop3A_255 = arith.index_cast %parallel_loop3A_254 : i32 to index
        %parallel_loop3A_256 = arith.index_cast %parallel_loop3A_81 : i32 to index
        %parallel_loop3A_257 = tpu.vector_load %arg14[%parallel_loop3A_255, %parallel_loop3A_256] {strides = array<i32>} : memref<16x1024xf32, #tpu.memory_space<vmem>>, vector<1x16xf32>,
        %parallel_loop3A_258 = vector.shape_cast %parallel_loop3A_257 : vector<1x16xf32> to vector<16xf32>
        %parallel_loop3A_259 = vector.shape_cast %parallel_loop3A_253 : vector<16xf32> to vector<1x16xf32>
        tpu.vector_store %arg14[%parallel_loop3A_255, %parallel_loop3A_256], %parallel_loop3A_259 {strides = array<i32>} : memref<16x1024xf32, #tpu.memory_space<vmem>>, vector<1x16xf32>,
        %parallel_loop3A_260 = arith.constant 14 : i32
        %parallel_loop3A_261 = arith.index_cast %parallel_loop3A_260 : i32 to index
        %parallel_loop3A_262 = arith.index_cast %parallel_loop3A_81 : i32 to index
        %parallel_loop3A_263 = tpu.vector_load %arg13[%parallel_loop3A_261, %parallel_loop3A_262] {strides = array<i32>} : memref<16x1024xf32, #tpu.memory_space<vmem>>, vector<1x16xf32>,
        %parallel_loop3A_264 = vector.shape_cast %parallel_loop3A_263 : vector<1x16xf32> to vector<16xf32>
        %parallel_loop3A_265 = arith.addf %parallel_loop3A_91, %parallel_loop3A_264 : vector<16xf32>
        %parallel_loop3A_266 = arith.constant 14 : i32
        %parallel_loop3A_267 = arith.index_cast %parallel_loop3A_266 : i32 to index
        %parallel_loop3A_268 = arith.index_cast %parallel_loop3A_81 : i32 to index
        %parallel_loop3A_269 = tpu.vector_load %arg14[%parallel_loop3A_267, %parallel_loop3A_268] {strides = array<i32>} : memref<16x1024xf32, #tpu.memory_space<vmem>>, vector<1x16xf32>,
        %parallel_loop3A_270 = vector.shape_cast %parallel_loop3A_269 : vector<1x16xf32> to vector<16xf32>
        %parallel_loop3A_271 = vector.shape_cast %parallel_loop3A_265 : vector<16xf32> to vector<1x16xf32>
        tpu.vector_store %arg14[%parallel_loop3A_267, %parallel_loop3A_268], %parallel_loop3A_271 {strides = array<i32>} : memref<16x1024xf32, #tpu.memory_space<vmem>>, vector<1x16xf32>,
        %parallel_loop3A_272 = arith.constant 15 : i32
        %parallel_loop3A_273 = arith.index_cast %parallel_loop3A_272 : i32 to index
        %parallel_loop3A_274 = arith.index_cast %parallel_loop3A_81 : i32 to index
        %parallel_loop3A_275 = tpu.vector_load %arg13[%parallel_loop3A_273, %parallel_loop3A_274] {strides = array<i32>} : memref<16x1024xf32, #tpu.memory_space<vmem>>, vector<1x16xf32>,
        %parallel_loop3A_276 = vector.shape_cast %parallel_loop3A_275 : vector<1x16xf32> to vector<16xf32>
        %parallel_loop3A_277 = arith.addf %parallel_loop3A_91, %parallel_loop3A_276 : vector<16xf32>
        %parallel_loop3A_278 = arith.constant 15 : i32
        %parallel_loop3A_279 = arith.index_cast %parallel_loop3A_278 : i32 to index
        %parallel_loop3A_280 = arith.index_cast %parallel_loop3A_81 : i32 to index
        %parallel_loop3A_281 = tpu.vector_load %arg14[%parallel_loop3A_279, %parallel_loop3A_280] {strides = array<i32>} : memref<16x1024xf32, #tpu.memory_space<vmem>>, vector<1x16xf32>,
        %parallel_loop3A_282 = vector.shape_cast %parallel_loop3A_281 : vector<1x16xf32> to vector<16xf32>
        %parallel_loop3A_283 = vector.shape_cast %parallel_loop3A_277 : vector<16xf32> to vector<1x16xf32>
        tpu.vector_store %arg14[%parallel_loop3A_279, %parallel_loop3A_280], %parallel_loop3A_283 {strides = array<i32>} : memref<16x1024xf32, #tpu.memory_space<vmem>>, vector<1x16xf32>,
      } {sc.loop_unroll_factor = 1 : i64, sc.parallel_access}
      %mul3A_53 = arith.constant 16 : i32
      %mul3A_54 = arith.muli %add3A_48, %mul3A_53 : i32
      %add3A_55 = arith.addi %mul3A_29, %mul3A_54 : i32
      %dma_start3A_56 = arith.constant 0 : i32
      %dma_start3A_57 = tpu.memref_slice %arg7[%add3A_55, %dma_start3A_56] : memref<4096x1024xf32, #tpu.memory_space<hbm>> -> memref<16x1024xf32, #tpu.memory_space<hbm>>
      %dma_start3A_58 = arith.constant 0 : i32
      %dma_start3A_59 = tpu.memref_slice %arg7[%add3A_55, %dma_start3A_58] : memref<4096x1024xf32, #tpu.memory_space<hbm>> -> memref<16x1024xf32, #tpu.memory_space<hbm>>
      tpu.enqueue_dma source(%arg14 : memref<16x1024xf32, #tpu.memory_space<vmem>>) target(%dma_start3A_59 : memref<16x1024xf32, #tpu.memory_space<hbm>>) target_semaphore(%arg19 : memref<!tpu.dma_semaphore, #tpu.memory_space<semaphore_mem>>)
      %mul3A_60 = arith.constant 2 : i32
      %mul3A_61 = arith.muli %mul3A_60, %scan3A_44 : i32
      %add3A_62 = arith.constant 1 : i32
      %add3A_63 = arith.addi %mul3A_61, %add3A_62 : i32
      %gt3A_64 = arith.constant 0 : i32
      %gt3A_65 = arith.cmpi sgt, %scan3A_44, %gt3A_64 : i32
      %convert_element_type3A_66 = arith.extui %gt3A_65 : i1 to i32
      %cond3A_67 = arith.constant 0 : i32
      %cond3A_68 = arith.cmpi ne, %convert_element_type3A_66, %cond3A_67 : i32
      scf.if %cond3A_68 {
        %dma_wait3A_79 = arith.constant 0 : i32
        %dma_wait3A_80 = tpu.memref_slice %arg7[%mul3A_29, %dma_wait3A_79] : memref<4096x1024xf32, #tpu.memory_space<hbm>> -> memref<16x1024xf32, #tpu.memory_space<hbm>>
        %dma_wait3A_81 = arith.constant 0 : i32
        %dma_wait3A_82 = tpu.memref_slice %arg7[%mul3A_29, %dma_wait3A_81] : memref<4096x1024xf32, #tpu.memory_space<hbm>> -> memref<16x1024xf32, #tpu.memory_space<hbm>>
        tpu.wait_dma2 semaphore(%arg20 : memref<!tpu.dma_semaphore, #tpu.memory_space<semaphore_mem>>) src(%arg15 : memref<16x1024xf32, #tpu.memory_space<vmem>>) dst(%dma_wait3A_82 : memref<16x1024xf32, #tpu.memory_space<hbm>>)
      } else {
      }
      %parallel_loop3A_69 = arith.constant 0 : i32
      %parallel_loop3A_70 = arith.constant 64 : i32
      %parallel_loop3A_71 = arith.constant 1 : i32
      scf.for %parallel_loop3A_79 = %parallel_loop3A_69 to %parallel_loop3A_70 step %parallel_loop3A_71  : i32 {
        %parallel_loop3A_80 = arith.constant 16 : i32
        %parallel_loop3A_81 = arith.muli %parallel_loop3A_79, %parallel_loop3A_80 : i32
        %parallel_loop3A_82 = arith.constant 1024 : i32
        %parallel_loop3A_83 = arith.muli %add3A_63, %parallel_loop3A_82 : i32
        %parallel_loop3A_84 = arith.constant 16 : i32
        %parallel_loop3A_85 = arith.muli %parallel_loop3A_79, %parallel_loop3A_84 : i32
        %parallel_loop3A_86 = arith.addi %parallel_loop3A_83, %parallel_loop3A_85 : i32
        %parallel_loop3A_87 = arith.constant 0 : i32
        %parallel_loop3A_88 = arith.index_cast %parallel_loop3A_87 : i32 to index
        %parallel_loop3A_89 = arith.index_cast %parallel_loop3A_86 : i32 to index
        %parallel_loop3A_90 = tpu.vector_load %arg12[%parallel_loop3A_88, %parallel_loop3A_89] {strides = array<i32>} : memref<1x8192xf32, #tpu.memory_space<vmem>>, vector<1x16xf32>,
        %parallel_loop3A_91 = vector.shape_cast %parallel_loop3A_90 : vector<1x16xf32> to vector<16xf32>
        %parallel_loop3A_92 = arith.constant 0 : i32
        %parallel_loop3A_93 = arith.index_cast %parallel_loop3A_92 : i32 to index
        %parallel_loop3A_94 = arith.index_cast %parallel_loop3A_81 : i32 to index
        %parallel_loop3A_95 = tpu.vector_load %arg13[%parallel_loop3A_93, %parallel_loop3A_94] {strides = array<i32>} : memref<16x1024xf32, #tpu.memory_space<vmem>>, vector<1x16xf32>,
        %parallel_loop3A_96 = vector.shape_cast %parallel_loop3A_95 : vector<1x16xf32> to vector<16xf32>
        %parallel_loop3A_97 = arith.addf %parallel_loop3A_91, %parallel_loop3A_96 : vector<16xf32>
        %parallel_loop3A_98 = arith.constant 0 : i32
        %parallel_loop3A_99 = arith.index_cast %parallel_loop3A_98 : i32 to index
        %parallel_loop3A_100 = arith.index_cast %parallel_loop3A_81 : i32 to index
        %parallel_loop3A_101 = tpu.vector_load %arg15[%parallel_loop3A_99, %parallel_loop3A_100] {strides = array<i32>} : memref<16x1024xf32, #tpu.memory_space<vmem>>, vector<1x16xf32>,
        %parallel_loop3A_102 = vector.shape_cast %parallel_loop3A_101 : vector<1x16xf32> to vector<16xf32>
        %parallel_loop3A_103 = vector.shape_cast %parallel_loop3A_97 : vector<16xf32> to vector<1x16xf32>
        tpu.vector_store %arg15[%parallel_loop3A_99, %parallel_loop3A_100], %parallel_loop3A_103 {strides = array<i32>} : memref<16x1024xf32, #tpu.memory_space<vmem>>, vector<1x16xf32>,
        %parallel_loop3A_104 = arith.constant 1 : i32
        %parallel_loop3A_105 = arith.index_cast %parallel_loop3A_104 : i32 to index
        %parallel_loop3A_106 = arith.index_cast %parallel_loop3A_81 : i32 to index
        %parallel_loop3A_107 = tpu.vector_load %arg13[%parallel_loop3A_105, %parallel_loop3A_106] {strides = array<i32>} : memref<16x1024xf32, #tpu.memory_space<vmem>>, vector<1x16xf32>,
        %parallel_loop3A_108 = vector.shape_cast %parallel_loop3A_107 : vector<1x16xf32> to vector<16xf32>
        %parallel_loop3A_109 = arith.addf %parallel_loop3A_91, %parallel_loop3A_108 : vector<16xf32>
        %parallel_loop3A_110 = arith.constant 1 : i32
        %parallel_loop3A_111 = arith.index_cast %parallel_loop3A_110 : i32 to index
        %parallel_loop3A_112 = arith.index_cast %parallel_loop3A_81 : i32 to index
        %parallel_loop3A_113 = tpu.vector_load %arg15[%parallel_loop3A_111, %parallel_loop3A_112] {strides = array<i32>} : memref<16x1024xf32, #tpu.memory_space<vmem>>, vector<1x16xf32>,
        %parallel_loop3A_114 = vector.shape_cast %parallel_loop3A_113 : vector<1x16xf32> to vector<16xf32>
        %parallel_loop3A_115 = vector.shape_cast %parallel_loop3A_109 : vector<16xf32> to vector<1x16xf32>
        tpu.vector_store %arg15[%parallel_loop3A_111, %parallel_loop3A_112], %parallel_loop3A_115 {strides = array<i32>} : memref<16x1024xf32, #tpu.memory_space<vmem>>, vector<1x16xf32>,
        %parallel_loop3A_116 = arith.constant 2 : i32
        %parallel_loop3A_117 = arith.index_cast %parallel_loop3A_116 : i32 to index
        %parallel_loop3A_118 = arith.index_cast %parallel_loop3A_81 : i32 to index
        %parallel_loop3A_119 = tpu.vector_load %arg13[%parallel_loop3A_117, %parallel_loop3A_118] {strides = array<i32>} : memref<16x1024xf32, #tpu.memory_space<vmem>>, vector<1x16xf32>,
        %parallel_loop3A_120 = vector.shape_cast %parallel_loop3A_119 : vector<1x16xf32> to vector<16xf32>
        %parallel_loop3A_121 = arith.addf %parallel_loop3A_91, %parallel_loop3A_120 : vector<16xf32>
        %parallel_loop3A_122 = arith.constant 2 : i32
        %parallel_loop3A_123 = arith.index_cast %parallel_loop3A_122 : i32 to index
        %parallel_loop3A_124 = arith.index_cast %parallel_loop3A_81 : i32 to index
        %parallel_loop3A_125 = tpu.vector_load %arg15[%parallel_loop3A_123, %parallel_loop3A_124] {strides = array<i32>} : memref<16x1024xf32, #tpu.memory_space<vmem>>, vector<1x16xf32>,
        %parallel_loop3A_126 = vector.shape_cast %parallel_loop3A_125 : vector<1x16xf32> to vector<16xf32>
        %parallel_loop3A_127 = vector.shape_cast %parallel_loop3A_121 : vector<16xf32> to vector<1x16xf32>
        tpu.vector_store %arg15[%parallel_loop3A_123, %parallel_loop3A_124], %parallel_loop3A_127 {strides = array<i32>} : memref<16x1024xf32, #tpu.memory_space<vmem>>, vector<1x16xf32>,
        %parallel_loop3A_128 = arith.constant 3 : i32
        %parallel_loop3A_129 = arith.index_cast %parallel_loop3A_128 : i32 to index
        %parallel_loop3A_130 = arith.index_cast %parallel_loop3A_81 : i32 to index
        %parallel_loop3A_131 = tpu.vector_load %arg13[%parallel_loop3A_129, %parallel_loop3A_130] {strides = array<i32>} : memref<16x1024xf32, #tpu.memory_space<vmem>>, vector<1x16xf32>,
        %parallel_loop3A_132 = vector.shape_cast %parallel_loop3A_131 : vector<1x16xf32> to vector<16xf32>
        %parallel_loop3A_133 = arith.addf %parallel_loop3A_91, %parallel_loop3A_132 : vector<16xf32>
        %parallel_loop3A_134 = arith.constant 3 : i32
        %parallel_loop3A_135 = arith.index_cast %parallel_loop3A_134 : i32 to index
        %parallel_loop3A_136 = arith.index_cast %parallel_loop3A_81 : i32 to index
        %parallel_loop3A_137 = tpu.vector_load %arg15[%parallel_loop3A_135, %parallel_loop3A_136] {strides = array<i32>} : memref<16x1024xf32, #tpu.memory_space<vmem>>, vector<1x16xf32>,
        %parallel_loop3A_138 = vector.shape_cast %parallel_loop3A_137 : vector<1x16xf32> to vector<16xf32>
        %parallel_loop3A_139 = vector.shape_cast %parallel_loop3A_133 : vector<16xf32> to vector<1x16xf32>
        tpu.vector_store %arg15[%parallel_loop3A_135, %parallel_loop3A_136], %parallel_loop3A_139 {strides = array<i32>} : memref<16x1024xf32, #tpu.memory_space<vmem>>, vector<1x16xf32>,
        %parallel_loop3A_140 = arith.constant 4 : i32
        %parallel_loop3A_141 = arith.index_cast %parallel_loop3A_140 : i32 to index
        %parallel_loop3A_142 = arith.index_cast %parallel_loop3A_81 : i32 to index
        %parallel_loop3A_143 = tpu.vector_load %arg13[%parallel_loop3A_141, %parallel_loop3A_142] {strides = array<i32>} : memref<16x1024xf32, #tpu.memory_space<vmem>>, vector<1x16xf32>,
        %parallel_loop3A_144 = vector.shape_cast %parallel_loop3A_143 : vector<1x16xf32> to vector<16xf32>
        %parallel_loop3A_145 = arith.addf %parallel_loop3A_91, %parallel_loop3A_144 : vector<16xf32>
        %parallel_loop3A_146 = arith.constant 4 : i32
        %parallel_loop3A_147 = arith.index_cast %parallel_loop3A_146 : i32 to index
        %parallel_loop3A_148 = arith.index_cast %parallel_loop3A_81 : i32 to index
        %parallel_loop3A_149 = tpu.vector_load %arg15[%parallel_loop3A_147, %parallel_loop3A_148] {strides = array<i32>} : memref<16x1024xf32, #tpu.memory_space<vmem>>, vector<1x16xf32>,
        %parallel_loop3A_150 = vector.shape_cast %parallel_loop3A_149 : vector<1x16xf32> to vector<16xf32>
        %parallel_loop3A_151 = vector.shape_cast %parallel_loop3A_145 : vector<16xf32> to vector<1x16xf32>
        tpu.vector_store %arg15[%parallel_loop3A_147, %parallel_loop3A_148], %parallel_loop3A_151 {strides = array<i32>} : memref<16x1024xf32, #tpu.memory_space<vmem>>, vector<1x16xf32>,
        %parallel_loop3A_152 = arith.constant 5 : i32
        %parallel_loop3A_153 = arith.index_cast %parallel_loop3A_152 : i32 to index
        %parallel_loop3A_154 = arith.index_cast %parallel_loop3A_81 : i32 to index
        %parallel_loop3A_155 = tpu.vector_load %arg13[%parallel_loop3A_153, %parallel_loop3A_154] {strides = array<i32>} : memref<16x1024xf32, #tpu.memory_space<vmem>>, vector<1x16xf32>,
        %parallel_loop3A_156 = vector.shape_cast %parallel_loop3A_155 : vector<1x16xf32> to vector<16xf32>
        %parallel_loop3A_157 = arith.addf %parallel_loop3A_91, %parallel_loop3A_156 : vector<16xf32>
        %parallel_loop3A_158 = arith.constant 5 : i32
        %parallel_loop3A_159 = arith.index_cast %parallel_loop3A_158 : i32 to index
        %parallel_loop3A_160 = arith.index_cast %parallel_loop3A_81 : i32 to index
        %parallel_loop3A_161 = tpu.vector_load %arg15[%parallel_loop3A_159, %parallel_loop3A_160] {strides = array<i32>} : memref<16x1024xf32, #tpu.memory_space<vmem>>, vector<1x16xf32>,
        %parallel_loop3A_162 = vector.shape_cast %parallel_loop3A_161 : vector<1x16xf32> to vector<16xf32>
        %parallel_loop3A_163 = vector.shape_cast %parallel_loop3A_157 : vector<16xf32> to vector<1x16xf32>
        tpu.vector_store %arg15[%parallel_loop3A_159, %parallel_loop3A_160], %parallel_loop3A_163 {strides = array<i32>} : memref<16x1024xf32, #tpu.memory_space<vmem>>, vector<1x16xf32>,
        %parallel_loop3A_164 = arith.constant 6 : i32
        %parallel_loop3A_165 = arith.index_cast %parallel_loop3A_164 : i32 to index
        %parallel_loop3A_166 = arith.index_cast %parallel_loop3A_81 : i32 to index
        %parallel_loop3A_167 = tpu.vector_load %arg13[%parallel_loop3A_165, %parallel_loop3A_166] {strides = array<i32>} : memref<16x1024xf32, #tpu.memory_space<vmem>>, vector<1x16xf32>,
        %parallel_loop3A_168 = vector.shape_cast %parallel_loop3A_167 : vector<1x16xf32> to vector<16xf32>
        %parallel_loop3A_169 = arith.addf %parallel_loop3A_91, %parallel_loop3A_168 : vector<16xf32>
        %parallel_loop3A_170 = arith.constant 6 : i32
        %parallel_loop3A_171 = arith.index_cast %parallel_loop3A_170 : i32 to index
        %parallel_loop3A_172 = arith.index_cast %parallel_loop3A_81 : i32 to index
        %parallel_loop3A_173 = tpu.vector_load %arg15[%parallel_loop3A_171, %parallel_loop3A_172] {strides = array<i32>} : memref<16x1024xf32, #tpu.memory_space<vmem>>, vector<1x16xf32>,
        %parallel_loop3A_174 = vector.shape_cast %parallel_loop3A_173 : vector<1x16xf32> to vector<16xf32>
        %parallel_loop3A_175 = vector.shape_cast %parallel_loop3A_169 : vector<16xf32> to vector<1x16xf32>
        tpu.vector_store %arg15[%parallel_loop3A_171, %parallel_loop3A_172], %parallel_loop3A_175 {strides = array<i32>} : memref<16x1024xf32, #tpu.memory_space<vmem>>, vector<1x16xf32>,
        %parallel_loop3A_176 = arith.constant 7 : i32
        %parallel_loop3A_177 = arith.index_cast %parallel_loop3A_176 : i32 to index
        %parallel_loop3A_178 = arith.index_cast %parallel_loop3A_81 : i32 to index
        %parallel_loop3A_179 = tpu.vector_load %arg13[%parallel_loop3A_177, %parallel_loop3A_178] {strides = array<i32>} : memref<16x1024xf32, #tpu.memory_space<vmem>>, vector<1x16xf32>,
        %parallel_loop3A_180 = vector.shape_cast %parallel_loop3A_179 : vector<1x16xf32> to vector<16xf32>
        %parallel_loop3A_181 = arith.addf %parallel_loop3A_91, %parallel_loop3A_180 : vector<16xf32>
        %parallel_loop3A_182 = arith.constant 7 : i32
        %parallel_loop3A_183 = arith.index_cast %parallel_loop3A_182 : i32 to index
        %parallel_loop3A_184 = arith.index_cast %parallel_loop3A_81 : i32 to index
        %parallel_loop3A_185 = tpu.vector_load %arg15[%parallel_loop3A_183, %parallel_loop3A_184] {strides = array<i32>} : memref<16x1024xf32, #tpu.memory_space<vmem>>, vector<1x16xf32>,
        %parallel_loop3A_186 = vector.shape_cast %parallel_loop3A_185 : vector<1x16xf32> to vector<16xf32>
        %parallel_loop3A_187 = vector.shape_cast %parallel_loop3A_181 : vector<16xf32> to vector<1x16xf32>
        tpu.vector_store %arg15[%parallel_loop3A_183, %parallel_loop3A_184], %parallel_loop3A_187 {strides = array<i32>} : memref<16x1024xf32, #tpu.memory_space<vmem>>, vector<1x16xf32>,
        %parallel_loop3A_188 = arith.constant 8 : i32
        %parallel_loop3A_189 = arith.index_cast %parallel_loop3A_188 : i32 to index
        %parallel_loop3A_190 = arith.index_cast %parallel_loop3A_81 : i32 to index
        %parallel_loop3A_191 = tpu.vector_load %arg13[%parallel_loop3A_189, %parallel_loop3A_190] {strides = array<i32>} : memref<16x1024xf32, #tpu.memory_space<vmem>>, vector<1x16xf32>,
        %parallel_loop3A_192 = vector.shape_cast %parallel_loop3A_191 : vector<1x16xf32> to vector<16xf32>
        %parallel_loop3A_193 = arith.addf %parallel_loop3A_91, %parallel_loop3A_192 : vector<16xf32>
        %parallel_loop3A_194 = arith.constant 8 : i32
        %parallel_loop3A_195 = arith.index_cast %parallel_loop3A_194 : i32 to index
        %parallel_loop3A_196 = arith.index_cast %parallel_loop3A_81 : i32 to index
        %parallel_loop3A_197 = tpu.vector_load %arg15[%parallel_loop3A_195, %parallel_loop3A_196] {strides = array<i32>} : memref<16x1024xf32, #tpu.memory_space<vmem>>, vector<1x16xf32>,
        %parallel_loop3A_198 = vector.shape_cast %parallel_loop3A_197 : vector<1x16xf32> to vector<16xf32>
        %parallel_loop3A_199 = vector.shape_cast %parallel_loop3A_193 : vector<16xf32> to vector<1x16xf32>
        tpu.vector_store %arg15[%parallel_loop3A_195, %parallel_loop3A_196], %parallel_loop3A_199 {strides = array<i32>} : memref<16x1024xf32, #tpu.memory_space<vmem>>, vector<1x16xf32>,
        %parallel_loop3A_200 = arith.constant 9 : i32
        %parallel_loop3A_201 = arith.index_cast %parallel_loop3A_200 : i32 to index
        %parallel_loop3A_202 = arith.index_cast %parallel_loop3A_81 : i32 to index
        %parallel_loop3A_203 = tpu.vector_load %arg13[%parallel_loop3A_201, %parallel_loop3A_202] {strides = array<i32>} : memref<16x1024xf32, #tpu.memory_space<vmem>>, vector<1x16xf32>,
        %parallel_loop3A_204 = vector.shape_cast %parallel_loop3A_203 : vector<1x16xf32> to vector<16xf32>
        %parallel_loop3A_205 = arith.addf %parallel_loop3A_91, %parallel_loop3A_204 : vector<16xf32>
        %parallel_loop3A_206 = arith.constant 9 : i32
        %parallel_loop3A_207 = arith.index_cast %parallel_loop3A_206 : i32 to index
        %parallel_loop3A_208 = arith.index_cast %parallel_loop3A_81 : i32 to index
        %parallel_loop3A_209 = tpu.vector_load %arg15[%parallel_loop3A_207, %parallel_loop3A_208] {strides = array<i32>} : memref<16x1024xf32, #tpu.memory_space<vmem>>, vector<1x16xf32>,
        %parallel_loop3A_210 = vector.shape_cast %parallel_loop3A_209 : vector<1x16xf32> to vector<16xf32>
        %parallel_loop3A_211 = vector.shape_cast %parallel_loop3A_205 : vector<16xf32> to vector<1x16xf32>
        tpu.vector_store %arg15[%parallel_loop3A_207, %parallel_loop3A_208], %parallel_loop3A_211 {strides = array<i32>} : memref<16x1024xf32, #tpu.memory_space<vmem>>, vector<1x16xf32>,
        %parallel_loop3A_212 = arith.constant 10 : i32
        %parallel_loop3A_213 = arith.index_cast %parallel_loop3A_212 : i32 to index
        %parallel_loop3A_214 = arith.index_cast %parallel_loop3A_81 : i32 to index
        %parallel_loop3A_215 = tpu.vector_load %arg13[%parallel_loop3A_213, %parallel_loop3A_214] {strides = array<i32>} : memref<16x1024xf32, #tpu.memory_space<vmem>>, vector<1x16xf32>,
        %parallel_loop3A_216 = vector.shape_cast %parallel_loop3A_215 : vector<1x16xf32> to vector<16xf32>
        %parallel_loop3A_217 = arith.addf %parallel_loop3A_91, %parallel_loop3A_216 : vector<16xf32>
        %parallel_loop3A_218 = arith.constant 10 : i32
        %parallel_loop3A_219 = arith.index_cast %parallel_loop3A_218 : i32 to index
        %parallel_loop3A_220 = arith.index_cast %parallel_loop3A_81 : i32 to index
        %parallel_loop3A_221 = tpu.vector_load %arg15[%parallel_loop3A_219, %parallel_loop3A_220] {strides = array<i32>} : memref<16x1024xf32, #tpu.memory_space<vmem>>, vector<1x16xf32>,
        %parallel_loop3A_222 = vector.shape_cast %parallel_loop3A_221 : vector<1x16xf32> to vector<16xf32>
        %parallel_loop3A_223 = vector.shape_cast %parallel_loop3A_217 : vector<16xf32> to vector<1x16xf32>
        tpu.vector_store %arg15[%parallel_loop3A_219, %parallel_loop3A_220], %parallel_loop3A_223 {strides = array<i32>} : memref<16x1024xf32, #tpu.memory_space<vmem>>, vector<1x16xf32>,
        %parallel_loop3A_224 = arith.constant 11 : i32
        %parallel_loop3A_225 = arith.index_cast %parallel_loop3A_224 : i32 to index
        %parallel_loop3A_226 = arith.index_cast %parallel_loop3A_81 : i32 to index
        %parallel_loop3A_227 = tpu.vector_load %arg13[%parallel_loop3A_225, %parallel_loop3A_226] {strides = array<i32>} : memref<16x1024xf32, #tpu.memory_space<vmem>>, vector<1x16xf32>,
        %parallel_loop3A_228 = vector.shape_cast %parallel_loop3A_227 : vector<1x16xf32> to vector<16xf32>
        %parallel_loop3A_229 = arith.addf %parallel_loop3A_91, %parallel_loop3A_228 : vector<16xf32>
        %parallel_loop3A_230 = arith.constant 11 : i32
        %parallel_loop3A_231 = arith.index_cast %parallel_loop3A_230 : i32 to index
        %parallel_loop3A_232 = arith.index_cast %parallel_loop3A_81 : i32 to index
        %parallel_loop3A_233 = tpu.vector_load %arg15[%parallel_loop3A_231, %parallel_loop3A_232] {strides = array<i32>} : memref<16x1024xf32, #tpu.memory_space<vmem>>, vector<1x16xf32>,
        %parallel_loop3A_234 = vector.shape_cast %parallel_loop3A_233 : vector<1x16xf32> to vector<16xf32>
        %parallel_loop3A_235 = vector.shape_cast %parallel_loop3A_229 : vector<16xf32> to vector<1x16xf32>
        tpu.vector_store %arg15[%parallel_loop3A_231, %parallel_loop3A_232], %parallel_loop3A_235 {strides = array<i32>} : memref<16x1024xf32, #tpu.memory_space<vmem>>, vector<1x16xf32>,
        %parallel_loop3A_236 = arith.constant 12 : i32
        %parallel_loop3A_237 = arith.index_cast %parallel_loop3A_236 : i32 to index
        %parallel_loop3A_238 = arith.index_cast %parallel_loop3A_81 : i32 to index
        %parallel_loop3A_239 = tpu.vector_load %arg13[%parallel_loop3A_237, %parallel_loop3A_238] {strides = array<i32>} : memref<16x1024xf32, #tpu.memory_space<vmem>>, vector<1x16xf32>,
        %parallel_loop3A_240 = vector.shape_cast %parallel_loop3A_239 : vector<1x16xf32> to vector<16xf32>
        %parallel_loop3A_241 = arith.addf %parallel_loop3A_91, %parallel_loop3A_240 : vector<16xf32>
        %parallel_loop3A_242 = arith.constant 12 : i32
        %parallel_loop3A_243 = arith.index_cast %parallel_loop3A_242 : i32 to index
        %parallel_loop3A_244 = arith.index_cast %parallel_loop3A_81 : i32 to index
        %parallel_loop3A_245 = tpu.vector_load %arg15[%parallel_loop3A_243, %parallel_loop3A_244] {strides = array<i32>} : memref<16x1024xf32, #tpu.memory_space<vmem>>, vector<1x16xf32>,
        %parallel_loop3A_246 = vector.shape_cast %parallel_loop3A_245 : vector<1x16xf32> to vector<16xf32>
        %parallel_loop3A_247 = vector.shape_cast %parallel_loop3A_241 : vector<16xf32> to vector<1x16xf32>
        tpu.vector_store %arg15[%parallel_loop3A_243, %parallel_loop3A_244], %parallel_loop3A_247 {strides = array<i32>} : memref<16x1024xf32, #tpu.memory_space<vmem>>, vector<1x16xf32>,
        %parallel_loop3A_248 = arith.constant 13 : i32
        %parallel_loop3A_249 = arith.index_cast %parallel_loop3A_248 : i32 to index
        %parallel_loop3A_250 = arith.index_cast %parallel_loop3A_81 : i32 to index
        %parallel_loop3A_251 = tpu.vector_load %arg13[%parallel_loop3A_249, %parallel_loop3A_250] {strides = array<i32>} : memref<16x1024xf32, #tpu.memory_space<vmem>>, vector<1x16xf32>,
        %parallel_loop3A_252 = vector.shape_cast %parallel_loop3A_251 : vector<1x16xf32> to vector<16xf32>
        %parallel_loop3A_253 = arith.addf %parallel_loop3A_91, %parallel_loop3A_252 : vector<16xf32>
        %parallel_loop3A_254 = arith.constant 13 : i32
        %parallel_loop3A_255 = arith.index_cast %parallel_loop3A_254 : i32 to index
        %parallel_loop3A_256 = arith.index_cast %parallel_loop3A_81 : i32 to index
        %parallel_loop3A_257 = tpu.vector_load %arg15[%parallel_loop3A_255, %parallel_loop3A_256] {strides = array<i32>} : memref<16x1024xf32, #tpu.memory_space<vmem>>, vector<1x16xf32>,
        %parallel_loop3A_258 = vector.shape_cast %parallel_loop3A_257 : vector<1x16xf32> to vector<16xf32>
        %parallel_loop3A_259 = vector.shape_cast %parallel_loop3A_253 : vector<16xf32> to vector<1x16xf32>
        tpu.vector_store %arg15[%parallel_loop3A_255, %parallel_loop3A_256], %parallel_loop3A_259 {strides = array<i32>} : memref<16x1024xf32, #tpu.memory_space<vmem>>, vector<1x16xf32>,
        %parallel_loop3A_260 = arith.constant 14 : i32
        %parallel_loop3A_261 = arith.index_cast %parallel_loop3A_260 : i32 to index
        %parallel_loop3A_262 = arith.index_cast %parallel_loop3A_81 : i32 to index
        %parallel_loop3A_263 = tpu.vector_load %arg13[%parallel_loop3A_261, %parallel_loop3A_262] {strides = array<i32>} : memref<16x1024xf32, #tpu.memory_space<vmem>>, vector<1x16xf32>,
        %parallel_loop3A_264 = vector.shape_cast %parallel_loop3A_263 : vector<1x16xf32> to vector<16xf32>
        %parallel_loop3A_265 = arith.addf %parallel_loop3A_91, %parallel_loop3A_264 : vector<16xf32>
        %parallel_loop3A_266 = arith.constant 14 : i32
        %parallel_loop3A_267 = arith.index_cast %parallel_loop3A_266 : i32 to index
        %parallel_loop3A_268 = arith.index_cast %parallel_loop3A_81 : i32 to index
        %parallel_loop3A_269 = tpu.vector_load %arg15[%parallel_loop3A_267, %parallel_loop3A_268] {strides = array<i32>} : memref<16x1024xf32, #tpu.memory_space<vmem>>, vector<1x16xf32>,
        %parallel_loop3A_270 = vector.shape_cast %parallel_loop3A_269 : vector<1x16xf32> to vector<16xf32>
        %parallel_loop3A_271 = vector.shape_cast %parallel_loop3A_265 : vector<16xf32> to vector<1x16xf32>
        tpu.vector_store %arg15[%parallel_loop3A_267, %parallel_loop3A_268], %parallel_loop3A_271 {strides = array<i32>} : memref<16x1024xf32, #tpu.memory_space<vmem>>, vector<1x16xf32>,
        %parallel_loop3A_272 = arith.constant 15 : i32
        %parallel_loop3A_273 = arith.index_cast %parallel_loop3A_272 : i32 to index
        %parallel_loop3A_274 = arith.index_cast %parallel_loop3A_81 : i32 to index
        %parallel_loop3A_275 = tpu.vector_load %arg13[%parallel_loop3A_273, %parallel_loop3A_274] {strides = array<i32>} : memref<16x1024xf32, #tpu.memory_space<vmem>>, vector<1x16xf32>,
        %parallel_loop3A_276 = vector.shape_cast %parallel_loop3A_275 : vector<1x16xf32> to vector<16xf32>
        %parallel_loop3A_277 = arith.addf %parallel_loop3A_91, %parallel_loop3A_276 : vector<16xf32>
        %parallel_loop3A_278 = arith.constant 15 : i32
        %parallel_loop3A_279 = arith.index_cast %parallel_loop3A_278 : i32 to index
        %parallel_loop3A_280 = arith.index_cast %parallel_loop3A_81 : i32 to index
        %parallel_loop3A_281 = tpu.vector_load %arg15[%parallel_loop3A_279, %parallel_loop3A_280] {strides = array<i32>} : memref<16x1024xf32, #tpu.memory_space<vmem>>, vector<1x16xf32>,
        %parallel_loop3A_282 = vector.shape_cast %parallel_loop3A_281 : vector<1x16xf32> to vector<16xf32>
        %parallel_loop3A_283 = vector.shape_cast %parallel_loop3A_277 : vector<16xf32> to vector<1x16xf32>
        tpu.vector_store %arg15[%parallel_loop3A_279, %parallel_loop3A_280], %parallel_loop3A_283 {strides = array<i32>} : memref<16x1024xf32, #tpu.memory_space<vmem>>, vector<1x16xf32>,
      } {sc.loop_unroll_factor = 1 : i64, sc.parallel_access}
      %mul3A_72 = arith.constant 16 : i32
      %mul3A_73 = arith.muli %add3A_63, %mul3A_72 : i32
      %add3A_74 = arith.addi %mul3A_29, %mul3A_73 : i32
      %dma_start3A_75 = arith.constant 0 : i32
      %dma_start3A_76 = tpu.memref_slice %arg7[%add3A_74, %dma_start3A_75] : memref<4096x1024xf32, #tpu.memory_space<hbm>> -> memref<16x1024xf32, #tpu.memory_space<hbm>>
      %dma_start3A_77 = arith.constant 0 : i32
      %dma_start3A_78 = tpu.memref_slice %arg7[%add3A_74, %dma_start3A_77] : memref<4096x1024xf32, #tpu.memory_space<hbm>> -> memref<16x1024xf32, #tpu.memory_space<hbm>>
      tpu.enqueue_dma source(%arg15 : memref<16x1024xf32, #tpu.memory_space<vmem>>) target(%dma_start3A_78 : memref<16x1024xf32, #tpu.memory_space<hbm>>) target_semaphore(%arg20 : memref<!tpu.dma_semaphore, #tpu.memory_space<semaphore_mem>>)
    }
    %scan3A_35 = arith.constant 4 : i32
    %dma_wait3A_36 = arith.constant 0 : i32
    %dma_wait3A_37 = tpu.memref_slice %arg7[%mul3A_29, %dma_wait3A_36] : memref<4096x1024xf32, #tpu.memory_space<hbm>> -> memref<16x1024xf32, #tpu.memory_space<hbm>>
    %dma_wait3A_38 = arith.constant 0 : i32
    %dma_wait3A_39 = tpu.memref_slice %arg7[%mul3A_29, %dma_wait3A_38] : memref<4096x1024xf32, #tpu.memory_space<hbm>> -> memref<16x1024xf32, #tpu.memory_space<hbm>>
    tpu.wait_dma2 semaphore(%arg19 : memref<!tpu.dma_semaphore, #tpu.memory_space<semaphore_mem>>) src(%arg14 : memref<16x1024xf32, #tpu.memory_space<vmem>>) dst(%dma_wait3A_39 : memref<16x1024xf32, #tpu.memory_space<hbm>>)
    %dma_wait3A_40 = arith.constant 0 : i32
    %dma_wait3A_41 = tpu.memref_slice %arg7[%mul3A_29, %dma_wait3A_40] : memref<4096x1024xf32, #tpu.memory_space<hbm>> -> memref<16x1024xf32, #tpu.memory_space<hbm>>
    %dma_wait3A_42 = arith.constant 0 : i32
    %dma_wait3A_43 = tpu.memref_slice %arg7[%mul3A_29, %dma_wait3A_42] : memref<4096x1024xf32, #tpu.memory_space<hbm>> -> memref<16x1024xf32, #tpu.memory_space<hbm>>
    tpu.wait_dma2 semaphore(%arg20 : memref<!tpu.dma_semaphore, #tpu.memory_space<semaphore_mem>>) src(%arg15 : memref<16x1024xf32, #tpu.memory_space<vmem>>) dst(%dma_wait3A_43 : memref<16x1024xf32, #tpu.memory_space<hbm>>)
    return
  }
}

</mosaic_0001>

<sc_bundles>
// kernel: kernel.3.cloned.1.call-start
scs
__scs_entry_jumppad:
0x0: {  	(pc) =	sbr.rel $0x88, $3  }
0x1: {  	(tag) =	ssettag $0x0;
	lr =	simm.s32 $0x1  }
0x2: {  	[smem:$0x3F9C] =	sst lr;
	_ =	strace $0xD0000000  }
0x3: {  	_ = 	snop  }
0x4: {  	_ = 	snop  }
0x5: {  	_ = 	snop  }
0x6: {  	_ = 	snop  }
0x7: {  	_ = 	snop  }
__scs_overlays_trampoline_lowered:
0x8: {  	[smem:$0x3FAB] =	sst s0  }
0x9: {  	[smem:$0x3FAC] =	sst s1  }
0xa: {  	[smem:$0x3FAD] =	sst s2  }
0xb: {  	[smem:$0x3FAE] =	sst s3  }
0xc: {  	[smem:$0x3FAF] =	sst s4  }
0xd: {  	[smem:$0x3FB0] =	sst s5  }
0xe: {  	[smem:$0x3FB1] =	sst s6  }
0xf: {  	[smem:$0x3FB2] =	sst s7  }
0x10: {  	[smem:$0x3FB3] =	sst s8  }
0x11: {  	[smem:$0x3FB4] =	sst s9;
	s0 =	simm.s32 @!p0 $0x0  }
0x12: {  	s1 =	sld [smem:$0x3F9A];
	s0 =	simm.s32 @p0 $0x1  }
0x13: {  	[smem:$0x3FB5] =	sst s0;
	s0 =	simm.s32 @!p1 $0x0  }
0x14: {  	s2 =	sld [smem:$0x3F99];
	s0 =	simm.s32 @p1 $0x1  }
0x15: {  	[smem:$0x3FB6] =	sst s0;
	s0 =	simm.s32 @!p2 $0x0  }
0x16: {  	s3 =	sld [smem:$0x3FDB];
	s0 =	simm.s32 @p2 $0x1  }
0x17: {  	s4 =	simm.s32 $0x1BF5;
	[smem:$0x3FB8] =	sst s0  }
0x18: {  	s0 =	sld [smem:$0x3F9B];
	_ =	swait.ge [sflag:s4], $0x0  }
0x19: {  	s7 =	sld [smem:$0x3F9C]  }
0x1a: {  	s8 =	sadd.s32 $0xFFFFE003, lr  }
0x1b: {  	s9 =	sadd.s32 $0xFFFFFEF7, lr;
	s5 =	simm.s32 $0xFFFFFFFF;
	p2 =	slt.u32 s8, $0xFFFFF086  }
0x1c: {  	p1 =	slt.u32 s9, $0xF7A;
	s5 =	simm.s32 @!p2 $0x0  }
0x1d: {  	s5 =	simm.s32 @p1 $0x1;
	p0 =	seq.s32 s7, s2  }
0x1e: {  	s7 =	smul.u32 @!p0 $0xF7A, s2;
	p2 =	seq.s32 @!p0 s5, $0x0  }
0x1f: {  	s9 =	smul.u32 $0xF7A, s1;
	s8 =	simm.s32 @!p0 $0x1BF5;
	p2 =	por !p2, p0  }
0x20: {  	[sflag:s8] =	ssyncset.s32 @!p0 $0xFFFFF086;
	s6 =	sadd.s32 @!p0 s3, s7;
	s7 =	simm.s32 @!p0 $0x108  }
0x21: {  	s3 =	sadd.s32 s3, s9;
	s6 =	sadd.s32 @!p0 $0x88, s6;
	s7 =	simm.s32 @p2 $0x1082  }
0x22: {  	[simem:s7], [sflag:s8] =	dma.local @!p0 [hbm:s6], $0xF7A  }
0x23: {  	s9 =	sor.u32 $0xD0000000, s2;
	s6 =	simm.s32 $0x108;
	_ =	swait.ge @!p0 [sflag:s8], $0x0  }
0x24: {  	s3 =	sadd.s32 $0x88, s3;
	s6 =	simm.s32 @!p1 $0x1082;
	[sflag:s4] =	ssyncset.s32 $0xFFFFF086  }
0x25: {  	[simem:s6], [sflag:s4] =	dma.local [hbm:s3], $0xF7A  }
0x26: {  	[smem:$0x3F9C] =	sst s1;
	(tag) =	ssettag s2;
	_ =	strace s9  }
0x27: {  	s1 =	sld [smem:$0x3FAC]  }
0x28: {  	s2 =	sld [smem:$0x3FAD]  }
0x29: {  	s4 =	sld [smem:$0x3FAF]  }
0x2a: {  	p0 =	seq.s32 s5, $0x0;
	s5 =	sld [smem:$0x3FB0]  }
0x2b: {  	s6 =	sld [smem:$0x3FB1]  }
0x2c: {  	s7 =	sld [smem:$0x3FB2]  }
0x2d: {  	s3 =	simm.s32 $0x108;
	s8 =	sld [smem:$0x3FB3]  }
0x2e: {  	s3 =	simm.s32 @!p0 $0x1082;
	s9 =	sld [smem:$0x3FB4]  }
0x2f: {  	lr =	sadd.s32 s0, s3;
	s0 =	sld [smem:$0x3FAB]  }
0x30: {  	s3 =	sld [smem:$0x3FAE]  }
0x31: {  	[smem:$0x3FB7] =	sst s10  }
0x32: {  	s10 =	sld [smem:$0x3FB5];
	_ =	sdelay $0x3  }
0x33: {  	p0 =	seq.s32 s10, $0x1;
	s10 =	sld [smem:$0x3FB7];
	_ =	sdelay $0x3  }
0x34: {  	[smem:$0x3FB7] =	sst s10  }
0x35: {  	s10 =	sld [smem:$0x3FB6];
	_ =	sdelay $0x3  }
0x36: {  	p1 =	seq.s32 s10, $0x1;
	s10 =	sld [smem:$0x3FB7];
	_ =	sdelay $0x3  }
0x37: {  	[smem:$0x3FB7] =	sst s10  }
0x38: {  	s10 =	sld [smem:$0x3FB8]  }
0x39: {  	_ = 	snop;
	(pc) =	sbr.ind lr, $3  }
0x3a: {  	_ = 	snop  }
0x3b: {  	_ = 	snop  }
0x3c: {  	p2 =	seq.s32 s10, $0x1;
	s10 =	sld [smem:$0x3FB7]  }
0x3d: {  	_ =	shalt  }
0x3e: {  	_ =	shalt  }
0x3f: {  	_ =	shalt  }
0x40: {  	_ =	shalt  }
0x41: {  	_ =	shalt  }
0x42: {  	_ =	shalt  }
0x43: {  	_ =	shalt  }
0x44: {  	_ =	shalt  }
0x45: {  	_ =	shalt  }
0x46: {  	_ =	shalt  }
0x47: {  	_ =	shalt  }
0x48: {  	_ =	shalt  }
0x49: {  	_ =	shalt  }
0x4a: {  	_ =	shalt  }
0x4b: {  	_ =	shalt  }
0x4c: {  	_ =	shalt  }
0x4d: {  	_ =	shalt  }
0x4e: {  	_ =	shalt  }
0x4f: {  	_ =	shalt  }
0x50: {  	_ =	shalt  }
0x51: {  	_ =	shalt  }
0x52: {  	_ =	shalt  }
0x53: {  	_ =	shalt  }
0x54: {  	_ =	shalt  }
0x55: {  	_ =	shalt  }
0x56: {  	_ =	shalt  }
0x57: {  	_ =	shalt  }
0x58: {  	_ =	shalt  }
0x59: {  	_ =	shalt  }
0x5a: {  	_ =	shalt  }
0x5b: {  	_ =	shalt  }
0x5c: {  	_ =	shalt  }
0x5d: {  	_ =	shalt  }
0x5e: {  	_ =	shalt  }
0x5f: {  	_ =	shalt  }
0x60: {  	_ =	shalt  }
0x61: {  	_ =	shalt  }
0x62: {  	_ =	shalt  }
0x63: {  	_ =	shalt  }
0x64: {  	_ =	shalt  }
0x65: {  	_ =	shalt  }
0x66: {  	_ =	shalt  }
0x67: {  	_ =	shalt  }
0x68: {  	_ =	shalt  }
0x69: {  	_ =	shalt  }
0x6a: {  	_ =	shalt  }
0x6b: {  	_ =	shalt  }
0x6c: {  	_ =	shalt  }
0x6d: {  	_ =	shalt  }
0x6e: {  	_ =	shalt  }
0x6f: {  	_ =	shalt  }
0x70: {  	_ =	shalt  }
0x71: {  	_ =	shalt  }
0x72: {  	_ =	shalt  }
0x73: {  	_ =	shalt  }
0x74: {  	_ =	shalt  }
0x75: {  	_ =	shalt  }
0x76: {  	_ =	shalt  }
0x77: {  	_ =	shalt  }
0x78: {  	_ =	shalt  }
0x79: {  	_ =	shalt  }
0x7a: {  	_ =	shalt  }
0x7b: {  	_ =	shalt  }
0x7c: {  	_ =	shalt  }
0x7d: {  	_ =	shalt  }
0x7e: {  	_ =	shalt  }
0x7f: {  	_ =	shalt  }
0x80: {  	_ =	shalt  }
0x81: {  	_ =	shalt  }
0x82: {  	_ =	shalt  }
0x83: {  	_ =	shalt  }
0x84: {  	_ =	shalt  }
0x85: {  	_ =	shalt  }
0x86: {  	_ =	shalt  }
0x87: {  	_ =	shalt  }
.Lfunc_end0:
.L_simem_size_0:
called_computation_lowered:
.L_overlay_start_0:
0x88: {  	s2 =	sld [smem:$0x3FD9]  }
0x89: {  	s3 =	sld [smem:$0x3FFE];
	_ =	sdelay $0x1  }
0x8a: {  	s1 =	srdreg.scid  }
0x8b: {  	s0 =	sand.u32 $0x1, s1  }
0x8c: {  	s18 =	sshll.u32 s0, $0xA;
	s2 =	sadd.s32 s3, s2  }
0x8d: {  	s2 =	sadd.s32 s2, s18  }
0x8e: {  	[smem:$0x3FC3] =	sst s2  }
0x8f: {  	_ = 	snop  }
0x90: {  	s2 =	sld [smem:$0x3FC9]  }
0x91: {  	s19 =	sld [smem:$0x3FC8]  }
0x92: {  	s4 =	sld [smem:$0x3FC7]  }
0x93: {  	s5 =	sld [smem:$0x3FC6]  }
0x94: {  	s6 =	sld [smem:$0x3FC5]  }
0x95: {  	s7 =	sld [smem:$0x3FD0];
	(tm) =	ssettm $0x1  }
0x96: {  	s8 =	sld [smem:$0x3FFB];
	_ =	sdelay $0x3  }
0x97: {  	_ =	strace s8  }
0x98: {  	s8 =	sld [smem:$0x3FFC];
	_ =	sdelay $0x3  }
0x99: {  	_ =	strace s8  }
0x9a: {  	s8 =	sld [smem:$0x3FFD];
	_ =	sdelay $0x3  }
0x9b: {  	_ =	strace s8  }
0x9c: {  	_ =	strace $0x8FFFFFFF  }
0x9d: {  	s20 =	sld [smem:$0x3FDB];
	_ =	sdelay $0x1  }
0x9e: {  	s9 =	simm.s32 $_scs_section_size  }
0x9f: {  	s10 =	simm.s32 $_size__tile_overlayer_lowered;
	s11 =	simm.s32 $_tile_overlayer_lowered  }
0xa0: {  	s23 =	simm.s32 $0x1BFF;
	s22 =	sshll.u32 s11, $0x1;
	s8 =	sadd.s32 s9, s20  }
0xa1: {  	s12 =	simm.s32 $0x0;
	s21 =	sshll.u32 s10, $0x1;
	s10 =	sadd.s32 s22, s8  }
0xa2: {  	[timem:s12], [sflag:s23] =	dma.local [hbm:s10], s21  }
0xa3: {  	_ =	swait.ge [sflag:s23], s21  }
0xa4: {  	s9 =	ssub.s32 $0x0, s21;
	[sflag:s23] =	ssyncset.done $0x0  }
0xa5: {  	[sflag:s23] =	ssyncadd.s32 s9;
	_ =	sdelay $0x1  }
0xa6: {  	s24 =	simm.s32 $0x1B8B  }
0xa7: {  	_ =	swait.ge [sflag:s24], $0x1  }
0xa8: {  	[sflag:s24] =	ssyncset.done $0x0  }
0xa9: {  	s25 =	simm.s32 $0x1B8E;
	[sflag:s24] =	ssyncadd.s32 $0xFFFFFFFF  }
0xaa: {  	s26 =	simm.s32 $execute0_lowered;
	[smem:$0x3FD2] =	sst s25  }
0xab: {  	s9 =	sshll.u32 s26, $0x1;
	_ =	strace $0x80000046;
	[dreg:$0x1] =	wrdreg $0xFFFFFFFF  }
0xac: {  	s28 =	simm.s32 $_size_execute0_lowered;
	s8 =	sadd.s32 s8, s9;
	[dreg:$0x0] =	wrdreg $0x0  }
0xad: {  	s9 =	sshll.u32 s28, $0x1;
	[dreg:$0x2] =	wrdreg s8  }
0xae: {  	[dreg:$0x3] =	wrdreg s9  }
0xaf: {  	[dreg:$0x4] =	wrdreg $0xC0  }
0xb0: {  	_ =	task [dreg:s12], $0x5FFFF  }
0xb1: {  	[dreg:$0x1] =	wrdreg $0xFFFFFFFF  }
0xb2: {  	[dreg:$0x0] =	wrdreg $0x60  }
0xb3: {  	[dreg:$0x2] =	wrdreg s2  }
0xb4: {  	[dreg:$0x3] =	wrdreg s19  }
0xb5: {  	[dreg:$0x4] =	wrdreg s4  }
0xb6: {  	[dreg:$0x5] =	wrdreg s5  }
0xb7: {  	[dreg:$0x6] =	wrdreg s6  }
0xb8: {  	[dreg:$0x7] =	wrdreg s7  }
0xb9: {  	[dreg:$0x8] =	wrdreg $0x9  }
0xba: {  	_ =	task.clear_ibuf [dreg:s12], $0x9FFFF;
	_ =	strace $0x90000046  }
0xbb: {  	s29 =	simm.s32 $0x9;
	_ =	strace $0x80000048  }
0xbc: {  	_ =	swait.ge [sflag:s29], $0x1  }
0xbd: {  	[sflag:s29] =	ssyncadd.s32 $0xFFFFFFFF  }
0xbe: {  	_ =	strace $0x90000048  }
0xbf: {  	_ =	sfence  }
0xc0: {  	s30 =	sld [smem:$0x0];
	_ =	sdelay $0x2  }
0xc1: {  	s31 =	sshll.u32 s1, $0xD;
	s1 =	sshrl.u32 s1, $0x2  }
0xc2: {  	s3 =	sand.u32 $0x4000, s31;
	s1 =	sadd.s32 s1, s30  }
0xc3: {  	s0 =	sor.u32 s3, s0;
	s1 =	sshll.u32 s1, $0x11  }
0xc4: {  	s0 =	sor.u32 s1, s0  }
0xc5: {  	s0 =	sadd.s32 $0x8F2B, s0  }
0xc6: {  	[sflag:s0] =	ssyncadd.remote.s32 $0x1  }
0xc7: {  	_ =	sfence.sel $0xFFFF  }
0xc8: {  	[dreg:$0x0] =	wrdreg $0xFFFFFFFF;
	(pc) =	sbr.abs _section_cstart, $3  }
0xc9: {  	[dreg:$0x1] =	wrdreg $0xFFFFFFFF  }
0xca: {  	_ =	task.clear_ibuf [dreg:s12], $0x2FFFF;
	_ =	strace $0x9FFFFFFF  }
0xcb: {  	(tm) =	ssettm $0x7FFFFFFF  }
tec
execute0_lowered:
.L_overlay_start_1:
0x0: {  	(tag) =	ssettag $0x1  }
0x1: {  	s0 =	rddreg [dreg:$0x2]  }
0x2: {  	s1 =	rddreg [dreg:$0x3]  }
0x3: {  	s2 =	rddreg [dreg:$0x5];
	s4 =	simm.s32 $0x0;
	s3 =	srdreg.scid  }
0x4: {  	s9 =	stileid.u32;
	s15 =	simm.s32 $0x2;
	s17 =	simm.s32 $0x8880  }
0x5: {  	s18 =	simm.s32 $0xC880;
	s19 =	simm.s32 $0x4;
	s20 =	simm.s32 $0x5  }
0x6: {  	s21 =	simm.s32 $0x0;
	[smem:$0x7FF] =	sst s4;
	s3 =	sand.u32 $0x1, s3  }
0x7: {  	s7 =	sshll.u32 s9, $0x7;
	s8 =	sshll.u32 s9, $0x4;
	s26 =	sshll.u32 s9, $0xF  }
0x8: {  	_ =	strace $0x80000047;
	s5 =	ssub.s32 $0x2, s3;
	s25 =	sand.u32 $0x70, s8  }
0x9: {  	s24 =	sand.u32 $0x400, s7;
	s28 =	sshll.u32 s3, $0xE;
	s0 =	sadd.s32 s0, s25  }
0xa: {  	s29 =	sshll.u32 s3, $0xA;
	s6 =	sshrl.u32 s5, $0x1;
	s0 =	sadd.s32 s24, s0  }
0xb: {  	s5 =	ssub.s32 s5, s6;
	[dreg:$0x7] =	wrdreg s0;
	s0 =	sadd.s32 s1, s29  }
0xc: {  	v1 =	vlaneseq.u32;
	s30 =	sor.u32 s28, s26;
	s31 =	smax.u32 s5, $0x1;
	[dreg:$0x8] =	wrdreg s0  }
0xd: {  	v0 =	vimm.s32 $0x0;
	vm0 =	vmmov $0xff;
	s22 =	simm.s32 $0x0;
	v1 =	vmul.u32 $0x8, v1;
	s8 =	sadd.s32 s2, s30;
	[dreg:$0x9] =	wrdreg s31  }
.LBB2_1:
0xe: {  	s0 =	simm.s32 $0x80  }
0xf: {  	s1 =	simm.s32 $0x480;
	s2 =	rddreg [dreg:$0x7];
	s3 =	simm.s32 $0x400  }
0x10: {  	[tilespmem:s1], [sflag:$0x2] =	stream.strided.gather [hbm4b:s2+s0], $0x400, s3, s0, $0x38;
	[tilespmem:$0x10880] =	vst v63  }
0x11: {  	s13 =	rddreg [dreg:$0x8];
	s14 =	simm.s32 $0x880  }
0x12: {  	[tilespmem:s14], [sflag:$0x2] =	stream.linear.gather [hbm4b:s13+s4], $0x2000, $0x38;
	[tilespmem:$0x10880] =	vst v63  }
0x13: {  	s16 =	rddreg [dreg:$0x4];
	s23 =	simm.s32 $0x4880  }
0x14: {  	[tilespmem:s23], [sflag:$0x3] =	stream.linear.gather [hbm4b:s16+s4], $0x4000, $0x38;
	[tilespmem:$0x10880] =	vst v63  }
0x15: {  	s24 =	rddreg [dreg:$0x0];
	s25 =	simm.s32 $0x6  }
0x16: {  	[tilespmem:s4], [sflag:$0x6] =	stream.linear.gather [hbm4b:s24+s4], $0x80, $0x38;
	[tilespmem:$0x10880] =	vst v63  }
0x17: {  	_ =	swait.ge [sflag:s25], $0x80  }
0x18: {  	[sflag:s25] =	ssyncset.done $0x0  }
0x19: {  	[sflag:s25] =	ssyncadd.s32 $0xFFFFFF80  }
0x1a: {  	v2 =	vld.msk [tilespmem:$0x0], $0x1;
	_ =	sdelay $0x4  }
0x1b: {  	v3 =	vshll.u32 v2, $0x3  }
0x1c: {  	v2 =	vand.u32 $0x7, v2;
	v3 =	vand.u32 $0xFFFFFFC0, v3  }
0x1d: {  	v2 =	vor.u32 v2, v3  }
0x1e: {  	v2 =	vperm.xlane v2, v0;
	_ =	sdelay $0x1  }
0x1f: {  	v2 =	vadd.s32 v1, v2;
	_ =	sdelay $0x3  }
0x20: {  	s26 =	simm.s32 $0x1;
	s2 =	rddreg [dreg:$0x1]  }
0x21: {  	[tilespmem:s0], [sflag:$0x1] =	stream.indirect_vreg.gather [hbm4b:s2+s4], $0x80, v2, vm0, $0xb8;
	[tilespmem:$0x10880] =	vst v63  }
0x22: {  	_ =	swait.ge [sflag:s26], $0x400  }
0x23: {  	[sflag:s26] =	ssyncset.done $0x0  }
0x24: {  	[sflag:s26] =	ssyncadd.s32 $0xFFFFFC00  }
0x25: {  	_ =	swait.ge [sflag:s15], $0x400  }
0x26: {  	[sflag:s15] =	ssyncset.done $0x0  }
0x27: {  	[sflag:s15] =	ssyncadd.s32 $0xFFFFFC00  }
0x28: {  	_ =	swait.ge [sflag:s15], $0x2000  }
0x29: {  	[sflag:s15] =	ssyncset.done $0x0  }
0x2a: {  	[sflag:s15] =	ssyncadd.s32 $0xFFFFE000  }
0x2b: {  	v2 =	vld [tilespmem:s1+$0x0]  }
0x2c: {  	s28 =	sand.u32 $0x70, s4;
	s29 =	sand.u32 $0x1C00, s4;
	v3 =	vld [tilespmem:s0+$0x0]  }
0x2d: {  	s2 =	sor.u32 s28, s29  }
0x2e: {  	v4 =	vld [tilespmem:s2+$0x880];
	_ =	sdelay $0x2  }
0x2f: {  	v2 =	vadd.f32 v2, v3;
	_ =	sdelay $0x1  }
0x30: {  	v3 =	vadd.f32 v2, v4  }
0x31: {  	s30 =	simm.s32 $0x2880  }
0x32: {  	[tilespmem:s30+$0x0] =	vst v3  }
0x33: {  	v3 =	vld [tilespmem:s2+$0x900];
	_ =	sdelay $0x4  }
0x34: {  	v3 =	vadd.f32 v3, v2  }
0x35: {  	s10 =	sand.u32 $0x3F0, s4  }
0x36: {  	[tilespmem:s10+$0x2C80] =	vst v3  }
0x37: {  	v3 =	vld [tilespmem:s2+$0x980];
	_ =	sdelay $0x4  }
0x38: {  	v3 =	vadd.f32 v3, v2;
	_ =	sdelay $0x1  }
0x39: {  	[tilespmem:s10+$0x3080] =	vst v3  }
0x3a: {  	v3 =	vld [tilespmem:s2+$0xA00];
	_ =	sdelay $0x4  }
0x3b: {  	v3 =	vadd.f32 v3, v2;
	_ =	sdelay $0x1  }
0x3c: {  	[tilespmem:s10+$0x3480] =	vst v3  }
0x3d: {  	v3 =	vld [tilespmem:s2+$0xA80];
	_ =	sdelay $0x4  }
0x3e: {  	v3 =	vadd.f32 v3, v2;
	_ =	sdelay $0x1  }
0x3f: {  	[tilespmem:s10+$0x3880] =	vst v3  }
0x40: {  	v3 =	vld [tilespmem:s2+$0xB00];
	_ =	sdelay $0x4  }
0x41: {  	v3 =	vadd.f32 v3, v2;
	_ =	sdelay $0x1  }
0x42: {  	[tilespmem:s10+$0x3C80] =	vst v3  }
0x43: {  	v3 =	vld [tilespmem:s2+$0xB80];
	_ =	sdelay $0x4  }
0x44: {  	v3 =	vadd.f32 v3, v2  }
0x45: {  	s31 =	sor.u32 s4, s4  }
0x46: {  	s2 =	sor.u32 $0x380, s31;
	[tilespmem:s10+$0x4080] =	vst v3  }
0x47: {  	v3 =	vld [tilespmem:s2+$0x880];
	_ =	sdelay $0x4  }
0x48: {  	v2 =	vadd.f32 v3, v2  }
0x49: {  	s5 =	simm.s32 $0x0;
	s3 =	simm.s32 $0x2890;
	s2 =	simm.s32 $0x10  }
.LBB2_2:
0x4a: {  	[tilespmem:s10+$0x4480] =	vst v2;
	s5 =	sadd.s32 $0x80, s5;
	s0 =	sadd.s32 $0x10, s0;
	s1 =	sadd.s32 $0x10, s1  }
0x4b: {  	p0 =	sne.s32 s2, $0x3F0;
	s11 =	smov.u32 s2;
	s2 =	sadd.s32 $0x10, s2;
	v2 =	vld [tilespmem:s1+$0x0]  }
0x4c: {  	s6 =	sand.u32 $0x70, s11;
	s7 =	sand.u32 $0x1C00, s5;
	v3 =	vld [tilespmem:s0+$0x0]  }
0x4d: {  	s6 =	sor.u32 s6, s7  }
0x4e: {  	v4 =	vld [tilespmem:s6+$0x880];
	_ =	sdelay $0x2  }
0x4f: {  	v2 =	vadd.f32 v2, v3;
	_ =	sdelay $0x1  }
0x50: {  	v3 =	vadd.f32 v2, v4;
	_ =	sdelay $0x1  }
0x51: {  	[tilespmem:s3+$0x0] =	vst v3  }
0x52: {  	v3 =	vld [tilespmem:s6+$0x900];
	_ =	sdelay $0x4  }
0x53: {  	v3 =	vadd.f32 v3, v2  }
0x54: {  	s10 =	sand.u32 $0x3F0, s11  }
0x55: {  	[tilespmem:s10+$0x2C80] =	vst v3  }
0x56: {  	v3 =	vld [tilespmem:s6+$0x980];
	_ =	sdelay $0x4  }
0x57: {  	v3 =	vadd.f32 v3, v2;
	_ =	sdelay $0x1  }
0x58: {  	[tilespmem:s10+$0x3080] =	vst v3  }
0x59: {  	v3 =	vld [tilespmem:s6+$0xA00];
	_ =	sdelay $0x4  }
0x5a: {  	v3 =	vadd.f32 v3, v2;
	_ =	sdelay $0x1  }
0x5b: {  	[tilespmem:s10+$0x3480] =	vst v3  }
0x5c: {  	v3 =	vld [tilespmem:s6+$0xA80];
	_ =	sdelay $0x4  }
0x5d: {  	v3 =	vadd.f32 v3, v2;
	_ =	sdelay $0x1  }
0x5e: {  	[tilespmem:s10+$0x3880] =	vst v3  }
0x5f: {  	v3 =	vld [tilespmem:s6+$0xB00];
	_ =	sdelay $0x4  }
0x60: {  	v3 =	vadd.f32 v3, v2;
	_ =	sdelay $0x1  }
0x61: {  	[tilespmem:s10+$0x3C80] =	vst v3  }
0x62: {  	v3 =	vld [tilespmem:s6+$0xB80];
	_ =	sdelay $0x4  }
0x63: {  	v3 =	vadd.f32 v3, v2  }
0x64: {  	s6 =	sor.u32 s5, s11  }
0x65: {  	s6 =	sor.u32 $0x380, s6;
	[tilespmem:s10+$0x4080] =	vst v3  }
0x66: {  	v3 =	vld [tilespmem:s6+$0x880];
	_ =	sdelay $0x1  }
.Ltmp0:
0x67: {  	(pc) =	sbr.rel @p0 .LBB2_2-.Ltmp0, $3  }
0x68: {  	_ =	sdelay $0x1  }
0x69: {  	v2 =	vadd.f32 v3, v2  }
0x6a: {  	s3 =	sadd.s32 $0x10, s3  }
0x6b: {  	[tilespmem:s10+$0x4480] =	vst v2;
	s0 =	simm.s32 $0x3  }
0x6c: {  	_ =	swait.ge [sflag:s0], $0x4000  }
0x6d: {  	[sflag:s0] =	ssyncset.done $0x0  }
0x6e: {  	s23 =	simm.s32 $0x0;
	[sflag:s0] =	ssyncadd.s32 $0xFFFFC000  }
.LBB2_4:
0x6f: {  	p0 =	seq.s32 s23, $0x0  }
0x70: {  	s1 =	sshll.u32 s23, $0xB;
	s2 =	sand.u32 $0x380, s22;
	s0 =	simm.s32 @!p0 $0x4  }
0x71: {  	s3 =	sand.u32 $0x70, s22;
	s1 =	sand.u32 $0x3FFFF800, s1;
	_ =	swait.ge @!p0 [sflag:s0], $0x4000  }
0x72: {  	s5 =	sand.u32 $0x1C00, s22;
	s1 =	sadd.s32 $0x2880, s1;
	[sflag:s0] =	ssyncset.done @!p0 $0x0  }
0x73: {  	s29 =	sor.u32 s3, s5;
	s2 =	sadd.s32 s2, s1;
	[sflag:s0] =	ssyncadd.s32 @!p0 $0xFFFFC000  }
0x74: {  	s0 =	sadd.s32 s3, s2;
	v3 =	vld [tilespmem:s29+$0x4A80]  }
0x75: {  	v2 =	vld [tilespmem:s0+$0x0]  }
0x76: {  	v4 =	vld [tilespmem:s29+$0x4900]  }
0x77: {  	v5 =	vld [tilespmem:s29+$0x4A00]  }
0x78: {  	v6 =	vld [tilespmem:s29+$0x4880]  }
0x79: {  	v7 =	vld [tilespmem:s29+$0x4980]  }
0x7a: {  	v8 =	vld [tilespmem:s29+$0x4B80];
	v3 =	vadd.f32 v3, v2  }
0x7b: {  	s16 =	simm.s32 $0x80;
	s3 =	simm.s32 $0x10;
	v9 =	vld [tilespmem:s29+$0x4B00];
	v4 =	vadd.f32 v4, v2  }
0x7c: {  	s9 =	sand.u32 $0x1C00, s16;
	s7 =	sand.u32 $0x70, s3;
	v5 =	vadd.f32 v5, v2;
	[tilespmem:s29+$0x8A80] =	vst v3  }
0x7d: {  	s28 =	sor.u32 s7, s9;
	[tilespmem:s29+$0x8900] =	vst v4;
	v3 =	vadd.f32 v6, v2  }
0x7e: {  	v10 =	vld [tilespmem:s28+$0x4980];
	[tilespmem:s29+$0x8A00] =	vst v5;
	v5 =	vadd.f32 v7, v2  }
0x7f: {  	v11 =	vld [tilespmem:s28+$0x4B00];
	v6 =	vadd.f32 v8, v2;
	[tilespmem:s29+$0x8880] =	vst v3  }
0x80: {  	v12 =	vld [tilespmem:s28+$0x4B80];
	v8 =	vadd.f32 v9, v2;
	[tilespmem:s29+$0x8980] =	vst v5  }
0x81: {  	s26 =	sor.u32 s22, s22;
	s6 =	sand.u32 $0x380, s3;
	v13 =	vld [tilespmem:s28+$0x4880];
	[tilespmem:s29+$0x8B80] =	vst v6  }
0x82: {  	s11 =	sor.u32 $0x380, s26;
	s6 =	sadd.s32 s6, s1;
	v4 =	vld [tilespmem:s28+$0x4A80];
	[tilespmem:s29+$0x8B00] =	vst v8  }
0x83: {  	s0 =	sadd.s32 s7, s6;
	v9 =	vld [tilespmem:s11+$0x4880]  }
0x84: {  	s30 =	simm.s32 $0x20;
	s5 =	simm.s32 $0x100;
	v3 =	vld [tilespmem:s0+$0x0]  }
0x85: {  	s10 =	sand.u32 $0x70, s30;
	s7 =	sand.u32 $0x1C00, s5;
	v7 =	vld [tilespmem:s28+$0x4900]  }
0x86: {  	s12 =	sand.u32 $0x380, s30;
	s24 =	sor.u32 s10, s7;
	v8 =	vld [tilespmem:s28+$0x4A00]  }
0x87: {  	s31 =	simm.s32 $0x30;
	s9 =	sadd.s32 s12, s1;
	v5 =	vld [tilespmem:s24+$0x4A80];
	s0 =	simm.s32 $0x180  }
0x88: {  	s13 =	sand.u32 $0x70, s31;
	s6 =	sadd.s32 s10, s9;
	v6 =	vld [tilespmem:s24+$0x4900];
	s10 =	sand.u32 $0x1C00, s0;
	v9 =	vadd.f32 v9, v2  }
0x89: {  	s25 =	sor.u32 s13, s10;
	v14 =	vadd.f32 v4, v3;
	v4 =	vld [tilespmem:s6+$0x0]  }
0x8a: {  	v15 =	vadd.f32 v7, v3;
	v7 =	vld [tilespmem:s25+$0x4A80];
	[tilespmem:s11+$0x8880] =	vst v9  }
0x8b: {  	v8 =	vadd.f32 v8, v3;
	[tilespmem:s28+$0x8A80] =	vst v14;
	v9 =	vld [tilespmem:s29+$0x6B80]  }
0x8c: {  	v13 =	vadd.f32 v13, v3;
	[tilespmem:s28+$0x8900] =	vst v15;
	v14 =	vld [tilespmem:s29+$0x6A80]  }
0x8d: {  	[tilespmem:s28+$0x8A00] =	vst v8;
	v8 =	vadd.f32 v10, v3;
	v15 =	vld [tilespmem:s29+$0x6900]  }
0x8e: {  	[tilespmem:s28+$0x8880] =	vst v13;
	v10 =	vadd.f32 v12, v3;
	v12 =	vld [tilespmem:s29+$0x6A00]  }
0x8f: {  	[tilespmem:s28+$0x8980] =	vst v8;
	v8 =	vadd.f32 v11, v3;
	v13 =	vld [tilespmem:s29+$0x6B00]  }
0x90: {  	[tilespmem:s28+$0x8B80] =	vst v10;
	v11 =	vld [tilespmem:s29+$0x6880];
	v16 =	vadd.f32 v9, v2  }
0x91: {  	v10 =	vld [tilespmem:s29+$0x6980];
	[tilespmem:s28+$0x8B00] =	vst v8;
	v14 =	vadd.f32 v14, v2  }
0x92: {  	s14 =	sand.u32 $0x380, s31;
	s2 =	sor.u32 s3, s16;
	v8 =	vld [tilespmem:s24+$0x4980];
	v15 =	vadd.f32 v15, v2;
	[tilespmem:s29+$0xAB80] =	vst v16  }
0x93: {  	s16 =	sadd.s32 s14, s1;
	s12 =	sor.u32 $0x380, s2;
	v9 =	vld [tilespmem:s24+$0x4A00];
	[tilespmem:s29+$0xAA80] =	vst v14  }
0x94: {  	s3 =	sadd.s32 s13, s16;
	s7 =	simm.s32 $0x40;
	s10 =	simm.s32 $0x200;
	v13 =	vadd.f32 v13, v2;
	v14 =	vadd.f32 v12, v2;
	v12 =	vld [tilespmem:s12+$0x4880];
	[tilespmem:s29+$0xA900] =	vst v15  }
.LBB2_5:
0x95: {  	s9 =	sand.u32 $0x380, s7  }
0x96: {  	s13 =	sand.u32 $0x70, s7;
	s11 =	sand.u32 $0x1C00, s10;
	v15 =	vadd.f32 v5, v4;
	v16 =	vld [tilespmem:s24+$0x4B00];
	v11 =	vadd.f32 v11, v2;
	[tilespmem:s29+$0xAA00] =	vst v14;
	v5 =	vmov v7;
	s6 =	smov.u32 s7  }
0x97: {  	v7 =	vadd.f32 v6, v4;
	s9 =	sadd.s32 s9, s1;
	s14 =	sor.u32 s13, s11;
	s11 =	sadd.s32 $0x10, s7;
	v14 =	vld [tilespmem:s24+$0x4B80];
	v10 =	vadd.f32 v10, v2;
	[tilespmem:s29+$0xAB00] =	vst v13  }
0x98: {  	p1 =	sne.s32 s7, $0x3F0;
	s9 =	sadd.s32 s13, s9;
	v13 =	vld [tilespmem:s24+$0x4880];
	v9 =	vadd.f32 v9, v4;
	[tilespmem:s29+$0xA880] =	vst v11  }
0x99: {  	s7 =	sor.u32 $0x2380, s26;
	v6 =	vld [tilespmem:s25+$0x4900];
	[tilespmem:s29+$0xA980] =	vst v10;
	s29 =	smov.u32 s28;
	s28 =	smov.u32 s24  }
0x9a: {  	s26 =	smov.u32 s2;
	s24 =	smov.u32 s25;
	s25 =	smov.u32 s14;
	[tilespmem:s28+$0x8A80] =	vst v15;
	v10 =	vadd.f32 v12, v3;
	v11 =	vld [tilespmem:s7+$0x4880]  }
0x9b: {  	v12 =	vld [tilespmem:s3+$0x0];
	[tilespmem:s28+$0x8900] =	vst v7;
	s3 =	smov.u32 s9  }
0x9c: {  	v7 =	vld [tilespmem:s25+$0x4A80];
	[tilespmem:s12+$0x8880] =	vst v10  }
0x9d: {  	v10 =	vadd.f32 v13, v4;
	[tilespmem:s28+$0x8A00] =	vst v9;
	v9 =	vld [tilespmem:s29+$0x6B80]  }
0x9e: {  	v8 =	vadd.f32 v8, v4;
	v13 =	vld [tilespmem:s29+$0x6A80]  }
0x9f: {  	[tilespmem:s28+$0x8880] =	vst v10;
	v15 =	vld [tilespmem:s29+$0x6900];
	v10 =	vadd.f32 v11, v2;
	v2 =	vmov v3;
	v3 =	vmov v4  }
0xa0: {  	[tilespmem:s28+$0x8980] =	vst v8;
	v8 =	vadd.f32 v14, v3;
	v14 =	vld [tilespmem:s29+$0x6A00];
	v4 =	vmov v12  }
0xa1: {  	v12 =	vadd.f32 v16, v3;
	v16 =	vld [tilespmem:s29+$0x6B00];
	[tilespmem:s7+$0x8880] =	vst v10  }
.Ltmp1:
0xa2: {  	[tilespmem:s28+$0x8B80] =	vst v8;
	v11 =	vld [tilespmem:s29+$0x6880];
	v8 =	vadd.f32 v9, v2;
	(pc) =	sbr.rel @p1 .LBB2_5-.Ltmp1, $4  }
0xa3: {  	[tilespmem:s28+$0x8B00] =	vst v12;
	v10 =	vld [tilespmem:s29+$0x6980];
	v12 =	vadd.f32 v13, v2  }
0xa4: {  	s2 =	sor.u32 s30, s5;
	s30 =	smov.u32 s31;
	s31 =	smov.u32 s6;
	v9 =	vld [tilespmem:s24+$0x4A00];
	v13 =	vadd.f32 v15, v2;
	[tilespmem:s29+$0xAB80] =	vst v8  }
0xa5: {  	s5 =	smov.u32 s0;
	s0 =	smov.u32 s10;
	s12 =	sor.u32 $0x380, s2;
	v8 =	vld [tilespmem:s24+$0x4980];
	v14 =	vadd.f32 v14, v2;
	[tilespmem:s29+$0xAA80] =	vst v12  }
0xa6: {  	s10 =	sadd.s32 $0x80, s10;
	s7 =	smov.u32 s11;
	v12 =	vld [tilespmem:s12+$0x4880];
	[tilespmem:s29+$0xA900] =	vst v13;
	v13 =	vadd.f32 v16, v2  }
0xa7: {  	_ =	sdelay $0x1  }
0xa8: {  	v11 =	vadd.f32 v11, v2;
	[tilespmem:s29+$0xAA00] =	vst v14  }
0xa9: {  	v17 =	vld [tilespmem:s24+$0x4880];
	v5 =	vadd.f32 v5, v4;
	[tilespmem:s29+$0xAB00] =	vst v13  }
0xaa: {  	v15 =	vld [tilespmem:s24+$0x4B00];
	[tilespmem:s29+$0xA880] =	vst v11;
	v12 =	vadd.f32 v12, v3  }
0xab: {  	v16 =	vld [tilespmem:s24+$0x4B80];
	v6 =	vadd.f32 v6, v4;
	[tilespmem:s24+$0x8A80] =	vst v5  }
0xac: {  	v10 =	vadd.f32 v10, v2;
	[tilespmem:s12+$0x8880] =	vst v12  }
0xad: {  	[tilespmem:s24+$0x8900] =	vst v6;
	v8 =	vadd.f32 v8, v4;
	v14 =	vld [tilespmem:s28+$0x6B80]  }
0xae: {  	[tilespmem:s29+$0xA980] =	vst v10;
	v6 =	vadd.f32 v17, v4;
	v12 =	vld [tilespmem:s3+$0x0]  }
0xaf: {  	v18 =	vld [tilespmem:s25+$0x4900];
	[tilespmem:s24+$0x8980] =	vst v8;
	v8 =	vadd.f32 v15, v4  }
0xb0: {  	v62 =	vld [tilespmem:s25+$0x4A00];
	[tilespmem:s24+$0x8880] =	vst v6;
	v6 =	vadd.f32 v16, v4  }
0xb1: {  	v9 =	vadd.f32 v9, v4;
	v15 =	vld [tilespmem:s25+$0x4880];
	[tilespmem:s24+$0x8B00] =	vst v8  }
0xb2: {  	v8 =	vld [tilespmem:s25+$0x4B80];
	[tilespmem:s24+$0x8B80] =	vst v6;
	v6 =	vadd.f32 v14, v3  }
0xb3: {  	s1 =	sor.u32 s30, s5;
	[tilespmem:s24+$0x8A00] =	vst v9;
	v7 =	vadd.f32 v7, v12;
	v14 =	vld [tilespmem:s25+$0x4980]  }
0xb4: {  	s12 =	sor.u32 $0x380, s1;
	v18 =	vadd.f32 v18, v12;
	[tilespmem:s28+$0xAB80] =	vst v6;
	v6 =	vld [tilespmem:s25+$0x4B00]  }
0xb5: {  	v16 =	vadd.f32 v62, v12;
	[tilespmem:s25+$0x8A80] =	vst v7;
	v7 =	vld [tilespmem:s12+$0x4880]  }
0xb6: {  	v13 =	vld [tilespmem:s28+$0x6A80];
	v15 =	vadd.f32 v15, v12;
	[tilespmem:s25+$0x8900] =	vst v18  }
0xb7: {  	v11 =	vld [tilespmem:s28+$0x6900];
	v8 =	vadd.f32 v8, v12;
	[tilespmem:s25+$0x8A00] =	vst v16  }
0xb8: {  	v10 =	vld [tilespmem:s28+$0x6A00];
	[tilespmem:s25+$0x8880] =	vst v15;
	v14 =	vadd.f32 v14, v12  }
0xb9: {  	v5 =	vld [tilespmem:s28+$0x6B00];
	[tilespmem:s25+$0x8B80] =	vst v8;
	v6 =	vadd.f32 v6, v12  }
0xba: {  	s0 =	sor.u32 s31, s0;
	v61 =	vld [tilespmem:s28+$0x6880];
	v7 =	vadd.f32 v7, v4;
	[tilespmem:s25+$0x8980] =	vst v14  }
0xbb: {  	s13 =	sor.u32 $0x380, s0;
	v9 =	vld [tilespmem:s28+$0x6980];
	v8 =	vadd.f32 v13, v3;
	[tilespmem:s25+$0x8B00] =	vst v6  }
0xbc: {  	[tilespmem:s12+$0x8880] =	vst v7;
	v6 =	vadd.f32 v11, v3;
	v7 =	vld [tilespmem:s13+$0x4880]  }
0xbd: {  	v10 =	vadd.f32 v10, v3;
	[tilespmem:s28+$0xAA80] =	vst v8;
	v8 =	vld [tilespmem:s24+$0x6B80]  }
0xbe: {  	v5 =	vadd.f32 v5, v3;
	[tilespmem:s28+$0xA900] =	vst v6;
	v6 =	vld [tilespmem:s24+$0x6A80]  }
0xbf: {  	[tilespmem:s28+$0xAA00] =	vst v10;
	v11 =	vadd.f32 v61, v3;
	v10 =	vld [tilespmem:s24+$0x6900]  }
0xc0: {  	v9 =	vadd.f32 v9, v3;
	[tilespmem:s28+$0xAB00] =	vst v5;
	v5 =	vld [tilespmem:s24+$0x6A00]  }
0xc1: {  	[tilespmem:s28+$0xA880] =	vst v11;
	v11 =	vld [tilespmem:s24+$0x6B00];
	v7 =	vadd.f32 v7, v12  }
0xc2: {  	[tilespmem:s28+$0xA980] =	vst v9;
	v9 =	vld [tilespmem:s24+$0x6880];
	v8 =	vadd.f32 v8, v4  }
0xc3: {  	v13 =	vld [tilespmem:s24+$0x6980];
	v6 =	vadd.f32 v6, v4;
	[tilespmem:s13+$0x8880] =	vst v7  }
0xc4: {  	[tilespmem:s24+$0xAB80] =	vst v8;
	v7 =	vadd.f32 v10, v4;
	v8 =	vld [tilespmem:s25+$0x6B80]  }
0xc5: {  	v5 =	vadd.f32 v5, v4;
	[tilespmem:s24+$0xAA80] =	vst v6;
	v6 =	vld [tilespmem:s25+$0x6A80]  }
0xc6: {  	v10 =	vld [tilespmem:s25+$0x6900];
	[tilespmem:s24+$0xA900] =	vst v7;
	v7 =	vadd.f32 v11, v4  }
0xc7: {  	v9 =	vadd.f32 v9, v4;
	[tilespmem:s24+$0xAA00] =	vst v5;
	v5 =	vld [tilespmem:s25+$0x6A00]  }
0xc8: {  	v11 =	vadd.f32 v13, v4;
	[tilespmem:s24+$0xAB00] =	vst v7;
	v7 =	vld [tilespmem:s25+$0x6B00]  }
0xc9: {  	[tilespmem:s24+$0xA880] =	vst v9;
	v9 =	vld [tilespmem:s25+$0x6880];
	v8 =	vadd.f32 v8, v12  }
0xca: {  	[tilespmem:s24+$0xA980] =	vst v11;
	v11 =	vld [tilespmem:s25+$0x6980];
	v6 =	vadd.f32 v6, v12  }
0xcb: {  	v10 =	vadd.f32 v10, v12;
	[tilespmem:s25+$0xAB80] =	vst v8  }
0xcc: {  	v5 =	vadd.f32 v5, v12;
	[tilespmem:s25+$0xAA80] =	vst v6  }
0xcd: {  	[tilespmem:s25+$0xA900] =	vst v10;
	v6 =	vadd.f32 v7, v12  }
0xce: {  	s14 =	sor.u32 $0x2380, s26;
	[tilespmem:s25+$0xAA00] =	vst v5;
	v7 =	vadd.f32 v9, v12  }
0xcf: {  	s2 =	sor.u32 $0x2380, s2;
	v5 =	vld [tilespmem:s14+$0x4880];
	v8 =	vadd.f32 v11, v12;
	[tilespmem:s25+$0xAB00] =	vst v6  }
0xd0: {  	s1 =	sor.u32 $0x2380, s1;
	v6 =	vld [tilespmem:s2+$0x4880];
	[tilespmem:s25+$0xA880] =	vst v7  }
0xd1: {  	s0 =	sor.u32 $0x2380, s0;
	v7 =	vld [tilespmem:s1+$0x4880];
	[tilespmem:s25+$0xA980] =	vst v8  }
0xd2: {  	v8 =	vld [tilespmem:s0+$0x4880];
	_ =	sdelay $0x1  }
0xd3: {  	v2 =	vadd.f32 v5, v2  }
0xd4: {  	v3 =	vadd.f32 v6, v3  }
0xd5: {  	[tilespmem:s14+$0x8880] =	vst v2;
	v2 =	vadd.f32 v7, v4  }
0xd6: {  	[tilespmem:s2+$0x8880] =	vst v3;
	v3 =	vadd.f32 v8, v12  }
0xd7: {  	s16 =	sshll.u32 s23, $0xC;
	[tilespmem:s1+$0x8880] =	vst v2  }
0xd8: {  	s24 =	sadd.s32 s16, s8;
	[tilespmem:s0+$0x8880] =	vst v3  }
0xd9: {  	[hbm4b:s24+s4] =	stream.linear.scatter [tilespmem:s17], [sflag:$0x4], $0x4000, $0x38;
	[tilespmem:$0x10880] =	vst v63  }
0xda: {  	s26 =	simm.s32 $0x0;
	s24 =	sshllo.u32 s23, $0x1  }
0xdb: {  	s7 =	sand.u32 $0x380, s26;
	s0 =	simm.s32 @!p0 $0x5;
	s25 =	sshll.u32 s24, $0xA  }
0xdc: {  	s9 =	sand.u32 $0x70, s26;
	_ =	swait.ge @!p0 [sflag:s0], $0x4000;
	s1 =	sand.u32 $0x3FFFFC00, s25  }
0xdd: {  	s6 =	sand.u32 $0x1C00, s26;
	[sflag:s0] =	ssyncset.done @!p0 $0x0;
	s1 =	sadd.s32 $0x2880, s1  }
0xde: {  	s30 =	sor.u32 s9, s6;
	[sflag:s0] =	ssyncadd.s32 @!p0 $0xFFFFC000;
	s10 =	sadd.s32 s7, s1  }
0xdf: {  	v3 =	vld [tilespmem:s30+$0x4A80];
	s0 =	sadd.s32 s9, s10  }
0xe0: {  	v2 =	vld [tilespmem:s0+$0x0]  }
0xe1: {  	v4 =	vld [tilespmem:s30+$0x4900]  }
0xe2: {  	v5 =	vld [tilespmem:s30+$0x4A00]  }
0xe3: {  	v6 =	vld [tilespmem:s30+$0x4880]  }
0xe4: {  	v7 =	vld [tilespmem:s30+$0x4980]  }
0xe5: {  	v8 =	vld [tilespmem:s30+$0x4B80];
	v3 =	vadd.f32 v3, v2  }
0xe6: {  	s3 =	simm.s32 $0x10;
	v9 =	vld [tilespmem:s30+$0x4B00];
	s10 =	simm.s32 $0x80;
	v4 =	vadd.f32 v4, v2  }
0xe7: {  	s11 =	sand.u32 $0x70, s3;
	s12 =	sand.u32 $0x1C00, s10;
	v5 =	vadd.f32 v5, v2;
	[tilespmem:s30+$0xCA80] =	vst v3  }
0xe8: {  	s29 =	sor.u32 s11, s12;
	[tilespmem:s30+$0xC900] =	vst v4;
	v3 =	vadd.f32 v6, v2  }
0xe9: {  	v10 =	vld [tilespmem:s29+$0x4980];
	[tilespmem:s30+$0xCA00] =	vst v5;
	v5 =	vadd.f32 v7, v2  }
0xea: {  	v11 =	vld [tilespmem:s29+$0x4B00];
	v6 =	vadd.f32 v8, v2;
	[tilespmem:s30+$0xC880] =	vst v3  }
0xeb: {  	v12 =	vld [tilespmem:s29+$0x4B80];
	v8 =	vadd.f32 v9, v2;
	[tilespmem:s30+$0xC980] =	vst v5  }
0xec: {  	s28 =	sor.u32 s26, s26;
	s13 =	sand.u32 $0x380, s3;
	v13 =	vld [tilespmem:s29+$0x4880];
	[tilespmem:s30+$0xCB80] =	vst v6  }
0xed: {  	s16 =	sor.u32 $0x380, s28;
	s6 =	sadd.s32 s13, s1;
	v4 =	vld [tilespmem:s29+$0x4A80];
	[tilespmem:s30+$0xCB00] =	vst v8  }
0xee: {  	s0 =	sadd.s32 s11, s6;
	v9 =	vld [tilespmem:s16+$0x4880]  }
0xef: {  	s31 =	simm.s32 $0x20;
	s2 =	simm.s32 $0x100;
	v3 =	vld [tilespmem:s0+$0x0]  }
0xf0: {  	s14 =	sand.u32 $0x70, s31;
	s7 =	sand.u32 $0x1C00, s2;
	v7 =	vld [tilespmem:s29+$0x4900]  }
0xf1: {  	s25 =	sor.u32 s14, s7;
	s12 =	sand.u32 $0x380, s31;
	v8 =	vld [tilespmem:s29+$0x4A00]  }
0xf2: {  	s5 =	simm.s32 $0x180;
	s9 =	sadd.s32 s12, s1;
	v5 =	vld [tilespmem:s25+$0x4A80];
	s0 =	simm.s32 $0x30  }
0xf3: {  	s11 =	sand.u32 $0x1C00, s5;
	s6 =	sadd.s32 s14, s9;
	v6 =	vld [tilespmem:s25+$0x4900];
	s13 =	sand.u32 $0x70, s0;
	v9 =	vadd.f32 v9, v2  }
0xf4: {  	s26 =	sor.u32 s13, s11;
	v14 =	vadd.f32 v4, v3;
	v4 =	vld [tilespmem:s6+$0x0]  }
0xf5: {  	v15 =	vadd.f32 v7, v3;
	v7 =	vld [tilespmem:s26+$0x4A80];
	[tilespmem:s16+$0xC880] =	vst v9  }
0xf6: {  	v8 =	vadd.f32 v8, v3;
	[tilespmem:s29+$0xCA80] =	vst v14;
	v9 =	vld [tilespmem:s30+$0x6B80]  }
0xf7: {  	v13 =	vadd.f32 v13, v3;
	[tilespmem:s29+$0xC900] =	vst v15;
	v14 =	vld [tilespmem:s30+$0x6A80]  }
0xf8: {  	[tilespmem:s29+$0xCA00] =	vst v8;
	v8 =	vadd.f32 v10, v3;
	v15 =	vld [tilespmem:s30+$0x6900]  }
0xf9: {  	[tilespmem:s29+$0xC880] =	vst v13;
	v10 =	vadd.f32 v12, v3;
	v12 =	vld [tilespmem:s30+$0x6A00]  }
0xfa: {  	[tilespmem:s29+$0xC980] =	vst v8;
	v8 =	vadd.f32 v11, v3;
	v13 =	vld [tilespmem:s30+$0x6B00]  }
0xfb: {  	[tilespmem:s29+$0xCB80] =	vst v10;
	v11 =	vld [tilespmem:s30+$0x6880];
	v63 =	vadd.f32 v9, v2  }
0xfc: {  	v10 =	vld [tilespmem:s30+$0x6980];
	[tilespmem:s29+$0xCB00] =	vst v8;
	v14 =	vadd.f32 v14, v2  }
0xfd: {  	s3 =	sor.u32 s3, s10;
	s14 =	sand.u32 $0x380, s0;
	v8 =	vld [tilespmem:s25+$0x4980];
	v15 =	vadd.f32 v15, v2;
	[tilespmem:s30+$0xEB80] =	vst v63  }
0xfe: {  	s6 =	sor.u32 $0x380, s3;
	s16 =	sadd.s32 s14, s1;
	v9 =	vld [tilespmem:s25+$0x4A00];
	[tilespmem:s30+$0xEA80] =	vst v14  }
0xff: {  	s12 =	simm.s32 $0x40;
	s11 =	simm.s32 $0x200;
	s10 =	sadd.s32 s13, s16;
	v13 =	vadd.f32 v13, v2;
	v14 =	vadd.f32 v12, v2;
	v12 =	vld [tilespmem:s6+$0x4880];
	[tilespmem:s30+$0xE900] =	vst v15  }
.LBB2_7:
0x100: {  	s9 =	sand.u32 $0x380, s12  }
0x101: {  	s13 =	sand.u32 $0x70, s12;
	s14 =	sand.u32 $0x1C00, s11;
	v15 =	vadd.f32 v5, v4;
	v16 =	vld [tilespmem:s25+$0x4B00];
	v11 =	vadd.f32 v11, v2;
	[tilespmem:s30+$0xEA00] =	vst v14;
	v5 =	vmov v7;
	s7 =	smov.u32 s12  }
0x102: {  	v7 =	vadd.f32 v6, v4;
	s16 =	sadd.s32 s9, s1;
	s14 =	sor.u32 s13, s14;
	s9 =	sadd.s32 $0x10, s12;
	v14 =	vld [tilespmem:s25+$0x4B80];
	v10 =	vadd.f32 v10, v2;
	[tilespmem:s30+$0xEB00] =	vst v13  }
0x103: {  	p0 =	sne.s32 s12, $0x3F0;
	s13 =	sadd.s32 s13, s16;
	v13 =	vld [tilespmem:s25+$0x4880];
	v9 =	vadd.f32 v9, v4;
	[tilespmem:s30+$0xE880] =	vst v11  }
0x104: {  	s12 =	sor.u32 $0x2380, s28;
	v6 =	vld [tilespmem:s26+$0x4900];
	[tilespmem:s30+$0xE980] =	vst v10;
	s30 =	smov.u32 s29;
	s29 =	smov.u32 s25  }
0x105: {  	s28 =	smov.u32 s3;
	s25 =	smov.u32 s26;
	s26 =	smov.u32 s14;
	[tilespmem:s29+$0xCA80] =	vst v15;
	v10 =	vadd.f32 v12, v3;
	v11 =	vld [tilespmem:s12+$0x4880]  }
0x106: {  	v12 =	vld [tilespmem:s10+$0x0];
	[tilespmem:s29+$0xC900] =	vst v7;
	s10 =	smov.u32 s13  }
0x107: {  	v7 =	vld [tilespmem:s26+$0x4A80];
	[tilespmem:s6+$0xC880] =	vst v10  }
0x108: {  	v10 =	vadd.f32 v13, v4;
	[tilespmem:s29+$0xCA00] =	vst v9;
	v9 =	vld [tilespmem:s30+$0x6B80]  }
0x109: {  	v8 =	vadd.f32 v8, v4;
	v13 =	vld [tilespmem:s30+$0x6A80]  }
0x10a: {  	[tilespmem:s29+$0xC880] =	vst v10;
	v15 =	vld [tilespmem:s30+$0x6900];
	v10 =	vadd.f32 v11, v2;
	v2 =	vmov v3;
	v3 =	vmov v4  }
0x10b: {  	[tilespmem:s29+$0xC980] =	vst v8;
	v8 =	vadd.f32 v14, v3;
	v14 =	vld [tilespmem:s30+$0x6A00];
	v4 =	vmov v12  }
0x10c: {  	v12 =	vadd.f32 v16, v3;
	v16 =	vld [tilespmem:s30+$0x6B00];
	[tilespmem:s12+$0xC880] =	vst v10  }
.Ltmp2:
0x10d: {  	[tilespmem:s29+$0xCB80] =	vst v8;
	v11 =	vld [tilespmem:s30+$0x6880];
	v8 =	vadd.f32 v9, v2;
	(pc) =	sbr.rel @p0 .LBB2_7-.Ltmp2, $4  }
0x10e: {  	[tilespmem:s29+$0xCB00] =	vst v12;
	v10 =	vld [tilespmem:s30+$0x6980];
	v12 =	vadd.f32 v13, v2  }
0x10f: {  	s3 =	sor.u32 s31, s2;
	s31 =	smov.u32 s0;
	s0 =	smov.u32 s7;
	v9 =	vld [tilespmem:s25+$0x4A00];
	v13 =	vadd.f32 v15, v2;
	[tilespmem:s30+$0xEB80] =	vst v8  }
0x110: {  	s2 =	smov.u32 s5;
	s5 =	smov.u32 s11;
	s6 =	sor.u32 $0x380, s3;
	v8 =	vld [tilespmem:s25+$0x4980];
	v14 =	vadd.f32 v14, v2;
	[tilespmem:s30+$0xEA80] =	vst v12  }
0x111: {  	s11 =	sadd.s32 $0x80, s11;
	s12 =	smov.u32 s9;
	v12 =	vld [tilespmem:s6+$0x4880];
	[tilespmem:s30+$0xE900] =	vst v13;
	v13 =	vadd.f32 v16, v2  }
0x112: {  	_ = 	snop  }
0x113: {  	v11 =	vadd.f32 v11, v2;
	[tilespmem:s30+$0xEA00] =	vst v14  }
0x114: {  	v5 =	vadd.f32 v5, v4;
	[tilespmem:s30+$0xEB00] =	vst v13  }
0x115: {  	v17 =	vld [tilespmem:s25+$0x4880];
	v6 =	vadd.f32 v6, v4;
	[tilespmem:s30+$0xE880] =	vst v11  }
0x116: {  	v16 =	vld [tilespmem:s25+$0x4B80];
	[tilespmem:s25+$0xCA80] =	vst v5;
	v12 =	vadd.f32 v12, v3  }
0x117: {  	v15 =	vld [tilespmem:s25+$0x4B00];
	v10 =	vadd.f32 v10, v2;
	[tilespmem:s25+$0xC900] =	vst v6  }
0x118: {  	v9 =	vadd.f32 v9, v4;
	[tilespmem:s6+$0xC880] =	vst v12;
	v12 =	vld [tilespmem:s10+$0x0]  }
0x119: {  	v18 =	vld [tilespmem:s26+$0x4900];
	[tilespmem:s30+$0xE980] =	vst v10;
	v8 =	vadd.f32 v8, v4  }
0x11a: {  	v29 =	vld [tilespmem:s26+$0x4A00];
	[tilespmem:s25+$0xCA00] =	vst v9;
	v25 =	vadd.f32 v17, v4  }
0x11b: {  	v31 =	vld [tilespmem:s26+$0x4880];
	v28 =	vadd.f32 v16, v4;
	[tilespmem:s25+$0xC980] =	vst v8  }
0x11c: {  	v33 =	vld [tilespmem:s26+$0x4980];
	v30 =	vadd.f32 v15, v4;
	[tilespmem:s25+$0xC880] =	vst v25  }
0x11d: {  	v34 =	vld [tilespmem:s26+$0x4B80];
	[tilespmem:s25+$0xCB80] =	vst v28;
	v7 =	vadd.f32 v7, v12  }
0x11e: {  	s1 =	sor.u32 s31, s2;
	v35 =	vld [tilespmem:s26+$0x4B00];
	[tilespmem:s25+$0xCB00] =	vst v30;
	v18 =	vadd.f32 v18, v12  }
0x11f: {  	s2 =	sor.u32 $0x380, s1;
	v20 =	vld [tilespmem:s29+$0x6B80];
	v16 =	vadd.f32 v29, v12;
	[tilespmem:s26+$0xCA80] =	vst v7  }
0x120: {  	v36 =	vld [tilespmem:s2+$0x4880];
	v15 =	vadd.f32 v31, v12;
	[tilespmem:s26+$0xC900] =	vst v18  }
0x121: {  	v21 =	vld [tilespmem:s29+$0x6A80];
	v14 =	vadd.f32 v33, v12;
	[tilespmem:s26+$0xCA00] =	vst v16  }
0x122: {  	v22 =	vld [tilespmem:s29+$0x6900];
	v8 =	vadd.f32 v34, v12;
	[tilespmem:s26+$0xC880] =	vst v15  }
0x123: {  	v23 =	vld [tilespmem:s29+$0x6A00];
	v6 =	vadd.f32 v35, v12;
	[tilespmem:s26+$0xC980] =	vst v14  }
0x124: {  	v24 =	vld [tilespmem:s29+$0x6B00];
	v32 =	vadd.f32 v20, v3;
	[tilespmem:s26+$0xCB80] =	vst v8  }
0x125: {  	s0 =	sor.u32 s0, s5;
	v26 =	vld [tilespmem:s29+$0x6880];
	v7 =	vadd.f32 v36, v4;
	[tilespmem:s26+$0xCB00] =	vst v6  }
0x126: {  	s5 =	sor.u32 $0x380, s0;
	v27 =	vld [tilespmem:s29+$0x6980];
	v37 =	vadd.f32 v21, v3;
	[tilespmem:s29+$0xEB80] =	vst v32  }
0x127: {  	v38 =	vadd.f32 v22, v3;
	v39 =	vld [tilespmem:s5+$0x4880];
	[tilespmem:s2+$0xC880] =	vst v7  }
0x128: {  	v10 =	vadd.f32 v23, v3;
	[tilespmem:s29+$0xEA80] =	vst v37;
	v40 =	vld [tilespmem:s25+$0x6B80]  }
0x129: {  	v5 =	vadd.f32 v24, v3;
	[tilespmem:s29+$0xE900] =	vst v38;
	v41 =	vld [tilespmem:s25+$0x6A80]  }
0x12a: {  	v42 =	vadd.f32 v26, v3;
	[tilespmem:s29+$0xEA00] =	vst v10;
	v43 =	vld [tilespmem:s25+$0x6900]  }
0x12b: {  	v9 =	vadd.f32 v27, v3;
	[tilespmem:s29+$0xEB00] =	vst v5;
	v44 =	vld [tilespmem:s25+$0x6A00]  }
0x12c: {  	[tilespmem:s29+$0xE880] =	vst v42;
	v45 =	vld [tilespmem:s25+$0x6B00];
	v7 =	vadd.f32 v39, v12  }
0x12d: {  	[tilespmem:s29+$0xE980] =	vst v9;
	v46 =	vld [tilespmem:s25+$0x6880];
	v8 =	vadd.f32 v40, v4  }
0x12e: {  	v47 =	vld [tilespmem:s25+$0x6980];
	v6 =	vadd.f32 v41, v4;
	[tilespmem:s5+$0xC880] =	vst v7  }
0x12f: {  	v48 =	vadd.f32 v43, v4;
	v49 =	vld [tilespmem:s26+$0x6B80];
	[tilespmem:s25+$0xEB80] =	vst v8  }
0x130: {  	v5 =	vadd.f32 v44, v4;
	v50 =	vld [tilespmem:s26+$0x6A80];
	[tilespmem:s25+$0xEA80] =	vst v6  }
0x131: {  	v51 =	vadd.f32 v45, v4;
	v52 =	vld [tilespmem:s26+$0x6900];
	[tilespmem:s25+$0xE900] =	vst v48  }
0x132: {  	v9 =	vadd.f32 v46, v4;
	v53 =	vld [tilespmem:s26+$0x6A00];
	[tilespmem:s25+$0xEA00] =	vst v5  }
0x133: {  	v54 =	vadd.f32 v47, v4;
	v55 =	vld [tilespmem:s26+$0x6B00];
	[tilespmem:s25+$0xEB00] =	vst v51  }
0x134: {  	v56 =	vld [tilespmem:s26+$0x6880];
	[tilespmem:s25+$0xE880] =	vst v9;
	v8 =	vadd.f32 v49, v12  }
0x135: {  	v57 =	vld [tilespmem:s26+$0x6980];
	[tilespmem:s25+$0xE980] =	vst v54;
	v6 =	vadd.f32 v50, v12  }
0x136: {  	v10 =	vadd.f32 v52, v12;
	[tilespmem:s26+$0xEB80] =	vst v8  }
0x137: {  	v5 =	vadd.f32 v53, v12;
	[tilespmem:s26+$0xEA80] =	vst v6  }
0x138: {  	v58 =	vadd.f32 v55, v12;
	[tilespmem:s26+$0xE900] =	vst v10  }
0x139: {  	s29 =	sor.u32 $0x2380, s28;
	v59 =	vadd.f32 v56, v12;
	[tilespmem:s26+$0xEA00] =	vst v5  }
0x13a: {  	s3 =	sor.u32 $0x2380, s3;
	v60 =	vld [tilespmem:s29+$0x4880];
	v61 =	vadd.f32 v57, v12;
	[tilespmem:s26+$0xEB00] =	vst v58  }
0x13b: {  	s1 =	sor.u32 $0x2380, s1;
	v62 =	vld [tilespmem:s3+$0x4880];
	[tilespmem:s26+$0xE880] =	vst v59  }
0x13c: {  	s0 =	sor.u32 $0x2380, s0;
	v63 =	vld [tilespmem:s1+$0x4880];
	[tilespmem:s26+$0xE980] =	vst v61  }
0x13d: {  	v8 =	vld [tilespmem:s0+$0x4880];
	_ =	sdelay $0x1  }
0x13e: {  	s23 =	sadd.s32 $0x1, s23;
	v2 =	vadd.f32 v60, v2  }
0x13f: {  	p0 =	sne.s32 s23, $0x4;
	v3 =	vadd.f32 v62, v3  }
.Ltmp3:
0x140: {  	[tilespmem:s29+$0xC880] =	vst v2;
	v2 =	vadd.f32 v63, v4;
	(pc) =	sbr.rel @p0 .LBB2_4-.Ltmp3, $4  }
0x141: {  	[tilespmem:s3+$0xC880] =	vst v3;
	v3 =	vadd.f32 v8, v12  }
0x142: {  	s30 =	sshll.u32 s24, $0xB;
	[tilespmem:s1+$0xC880] =	vst v2  }
0x143: {  	s31 =	sadd.s32 s30, s8;
	[tilespmem:s0+$0xC880] =	vst v3  }
0x144: {  	[hbm4b:s31+s4] =	stream.linear.scatter [tilespmem:s18], [sflag:$0x5], $0x4000, $0x38;
	[tilespmem:$0x10880] =	vst v63  }
0x145: {  	_ =	swait.ge [sflag:s19], $0x4000  }
0x146: {  	[sflag:s19] =	ssyncset.done $0x0  }
0x147: {  	[sflag:s19] =	ssyncadd.s32 $0xFFFFC000  }
0x148: {  	_ =	swait.ge [sflag:s20], $0x4000  }
0x149: {  	s21 =	sadd.s32 $0x1, s21;
	s0 =	rddreg [dreg:$0x9]  }
0x14a: {  	p0 =	sne.s32 s21, s0  }
.Ltmp4:
0x14b: {  	_ = 	snop;
	(pc) =	sbr.rel @p0 .LBB2_1-.Ltmp4, $3  }
0x14c: {  	_ =	sdelay $0x1  }
0x14d: {  	[sflag:s20] =	ssyncset.done $0x0  }
0x14e: {  	[sflag:s20] =	ssyncadd.s32 $0xFFFFC000  }
0x14f: {  	_ =	sfence.sel $0x180000  }
0x150: {  	[bflag:$0x0] =	sbarrier.arrive $0xFFFF  }
0x151: {  	_ =	strace $0x90000047  }
0x152: {  	s0 =	stileid.u32;
	[bflag:$0x2] =	sbarrier.arrive $0xFFFF  }
0x153: {  	p0 =	sne.s32 s0, $0x0;
	s0 =	rddreg [dreg:$0x6]  }
0x154: {  	s0 =	sadd.s32 @!p0 $0x100000, s0  }
0x155: {  	[sflag:s0] =	ssyncadd.tile.s32 @!p0 $0x1;
	_ =	shalt  }
.Lfunc_end2:
_tile_overlayer_lowered:
.L_overlay_start_2:
0x156: {  	(tag) =	ssettag $0x2  }
0x157: {  	s0 =	rddreg [dreg:$0x0];
	s2 =	stileid.u32  }
0x158: {  	s1 =	rddreg [dreg:$0x1];
	p0 =	sne.s32 s2, $0x0  }
0x159: {  	s3 =	rddreg [dreg:$0x2];
	[bflag:$0x3] =	sbarrier.arrive $0xFFFF;
	s2 =	simm.s32 @!p0 $0x1C06  }
0x15a: {  	[timem:s3], [sflag:s2] =	dma.local @!p0 [hbm:s0], s1  }
0x15b: {  	s0 =	simm.s32 @!p0 $0x6  }
0x15c: {  	_ =	swait.ge @!p0 [sflag:s0], s1  }
0x15d: {  	s1 =	ssub.s32 @!p0 $0x0, s1;
	[sflag:s0] =	ssyncset.done @!p0 $0x0  }
0x15e: {  	[sflag:s0] =	ssyncadd.s32 @!p0 s1  }
0x15f: {  	[bflag:$0x3] =	sbarrier.arrive $0xFFFF  }
0x160: {  	_ =	shalt  }

</sc_bundles>
